<compile_context>
chip_gen: v7x
topology: tpu7x:2x2x1
jax: 0.10.2.dev20260603
libtpu: 0.0.44.dev20260713+nightly
codegen_flags: <defaults>
</compile_context>

<pallas_src>
import jax
import jax.numpy as jnp
from jax import lax
from jax.experimental import pallas as pl
from jax.experimental.pallas import tpu as pltpu
from jax.experimental.pallas import tpu_sc as plsc

B = 16384
D = 512
C = 100000

_INFO = plsc.get_sparse_core_info()
NC = _INFO.num_cores
NS = _INFO.num_subcores
L = _INFO.num_lanes
NW = NC * NS

PW = B // NW
PH = B // NS
HCHUNK = 128
NHC = PH // HCHUNK
HIST = 100352
ZS = HIST // NS
CH = 16
NCHK = PW // CH
NBUF = 6
LOOK = 4
RPC = HCHUNK // CH
DB = D // L


def _body(feat_hbm, y2_hbm, centers_hbm, out_hbm,
          hist_sh, yh_v, cnt_v, zbuf, ones_v, rows3, feat3,
          acc_buf, sem_h, sem_r, sem_f):
    c = lax.axis_index("c")
    s = lax.axis_index("s")
    wid = s * NC + c
    base = wid * PW

    def idx_ref(g):
        return yh_v.at[c * (PW // HCHUNK) + g // RPC,
                       pl.ds(lax.rem(g, RPC) * CH, CH)]

    def start(g, b):
        pltpu.async_copy(centers_hbm.at[idx_ref(g)], rows3.at[b],
                         sem_r.at[b])
        pltpu.async_copy(feat_hbm.at[pl.ds(base + g * CH, CH)],
                         feat3.at[b], sem_f.at[b])

    def wait(g, b):
        pltpu.make_async_copy(centers_hbm.at[idx_ref(g)], rows3.at[b],
                              sem_r.at[b]).wait()
        pltpu.make_async_copy(feat_hbm.at[pl.ds(base + g * CH, CH)],
                              feat3.at[b], sem_f.at[b]).wait()

    pltpu.sync_copy(y2_hbm.at[pl.ds(s * NHC, NHC)], yh_v)
    for g0 in range(LOOK):
        start(g0, g0)

    zero16 = jnp.zeros((L,), jnp.float32)
    one16 = jnp.ones((L,), jnp.float32)

    def zfill(i, _):
        for u in range(8):
            zbuf[pl.ds(i * 8 * L + u * L, L)] = zero16
        return 0
    lax.fori_loop(0, ZS // (8 * L), zfill, 0)

    def ofill(i, _):
        ones_v[pl.ds(i * L, L)] = one16
        return 0
    lax.fori_loop(0, HCHUNK // L, ofill, 0)

    pltpu.sync_copy(zbuf, hist_sh.at[pl.ds(s * ZS, ZS)])
    plsc.subcore_barrier()

    for j in range(NHC):
        pltpu.async_copy(ones_v, hist_sh.at[yh_v.at[j]], sem_h, add=True)
    for j in range(NHC):
        pltpu.make_async_copy(ones_v, hist_sh.at[yh_v.at[j]], sem_h).wait()
    plsc.subcore_barrier()

    for j in range(PW // HCHUNK):
        pltpu.async_copy(hist_sh.at[yh_v.at[c * (PW // HCHUNK) + j]],
                         cnt_v.at[pl.ds(j * HCHUNK, HCHUNK)], sem_h)
    for j in range(PW // HCHUNK):
        pltpu.make_async_copy(
            hist_sh.at[yh_v.at[c * (PW // HCHUNK) + j]],
            cnt_v.at[pl.ds(j * HCHUNK, HCHUNK)], sem_h).wait()

    def invf(i, _):
        v = cnt_v[pl.ds(i * L, L)]
        cnt_v[pl.ds(i * L, L)] = 1.0 / (v + 1.0)
        return 0
    lax.fori_loop(0, PW // L, invf, 0)

    def chunk_compute(g, b, a):
        def row_body(r, a2):
            inv_b = plsc.load_gather(
                cnt_v, [jnp.full((L,), g * CH + r, jnp.int32)])
            accs = [jnp.zeros((L,), jnp.float32) for _ in range(4)]
            for kd in range(DB):
                f = feat3[b, r, pl.ds(kd * L, L)]
                cc = rows3[b, r, pl.ds(kd * L, L)]
                d = f - cc
                accs[kd % 4] = accs[kd % 4] + d * d
            s4 = (accs[0] + accs[1]) + (accs[2] + accs[3])
            return a2 + s4 * inv_b

        return lax.fori_loop(0, CH, row_body, a)

    def round_body(g, a):
        b = lax.rem(g, NBUF)
        wait(g, b)
        nxt = g + LOOK

        @pl.when(nxt < NCHK)
        def _():
            start(nxt, lax.rem(nxt, NBUF))

        return chunk_compute(g, b, a)

    acc = lax.fori_loop(0, NCHK, round_body, jnp.zeros((L,), jnp.float32))

    acc_buf[...] = acc
    pltpu.sync_copy(acc_buf, out_hbm.at[wid])


@jax.jit
def _sc_center_loss(feat, y2, centers):
    mesh = plsc.VectorSubcoreMesh(core_axis_name="c", subcore_axis_name="s")
    run = pl.kernel(
        _body,
        out_type=jax.ShapeDtypeStruct((NW, L), jnp.float32),
        mesh=mesh,
        scratch_types=[
            pltpu.VMEM_SHARED((HIST,), jnp.float32),
            pltpu.VMEM((NHC, HCHUNK), jnp.int32),
            pltpu.VMEM((PW,), jnp.float32),
            pltpu.VMEM((ZS,), jnp.float32),
            pltpu.VMEM((HCHUNK,), jnp.float32),
            pltpu.VMEM((NBUF, CH, D), jnp.float32),
            pltpu.VMEM((NBUF, CH, D), jnp.float32),
            pltpu.VMEM((L,), jnp.float32),
            pltpu.SemaphoreType.DMA,
            pltpu.SemaphoreType.DMA((NBUF,)),
            pltpu.SemaphoreType.DMA((NBUF,)),
        ],
        compiler_params=pltpu.CompilerParams(needs_layout_passes=False),
    )
    return run(feat, y2, centers)


def kernel(feat, y, centers):
    partials = _sc_center_loss(feat, y.reshape(B // HCHUNK, HCHUNK), centers)
    return 0.5 * jnp.sum(partials)

# --- scband reference (transcript-rebuilt; emitter-appended) ---
"""Pipeline reference for scband-center-loss-61057255080331 (READ-ONLY COPY).

The authoritative reference and input builder live on the scoring server;
editing this copy changes nothing except your own understanding.
"""

import jax, jax.numpy as jnp
import numpy as np

NUM_CLASSES = 100000
FEAT_DIM = 512
BATCH = 16384
LOSS_WEIGHT = 1.0


def setup_inputs(seed: int = 0) -> dict:
    key = jax.random.key(seed)
    k1, k2, k3 = jax.random.split(key, 3)
    feat = jax.random.normal(k1, (BATCH, FEAT_DIM), dtype=jnp.float32)
    y = jax.random.randint(k2, (BATCH,), 0, NUM_CLASSES, dtype=jnp.int32)
    centers = jax.random.normal(k3, (NUM_CLASSES, FEAT_DIM), dtype=jnp.float32)
    return {"feat": feat, "y": y, "centers": centers}


def reference(feat, y, centers):
    # torch.histc(y.float(), bins=C, min=0, max=C) with integer labels in [0, C-1]
    # has unit-width bins, equivalent to bincount with length=C.
    hist = jnp.bincount(y, length=NUM_CLASSES).astype(jnp.float32) + 1.0
    centers_count = jnp.take(hist, y, axis=0)          # gather per-sample class count
    centers_pred = jnp.take(centers, y, axis=0)        # gather center rows
    diff = feat - centers_pred
    loss = LOSS_WEIGHT * 0.5 * jnp.sum(jnp.sum(diff ** 2, axis=1) / centers_count)
    return loss

if __name__ == "__main__":
    import jax
    _d = setup_inputs()
    print(jax.jit(kernel)(*tuple(_d.values())))

</pallas_src>

<mosaic_0001>
#map = affine_map<(d0, d1) -> (0, 0)>
module attributes {stable_mosaic.version = 14 : i64} {
  func.func @_body(%arg0: i32, %arg1: i32, %arg2: memref<16384x512xf32, #tpu.memory_space<hbm>>, %arg3: memref<128x128xi32, #tpu.memory_space<hbm>>, %arg4: memref<100000x512xf32, #tpu.memory_space<hbm>>, %arg5: memref<32x16xf32, #tpu.memory_space<hbm>>, %arg6: memref<100352xf32, #tpu.memory_space<vmem_shared>>, %arg7: memref<8x128xi32, #tpu.memory_space<vmem>>, %arg8: memref<512xf32, #tpu.memory_space<vmem>>, %arg9: memref<6272xf32, #tpu.memory_space<vmem>>, %arg10: memref<128xf32, #tpu.memory_space<vmem>>, %arg11: memref<6x16x512xf32, #tpu.memory_space<vmem>>, %arg12: memref<6x16x512xf32, #tpu.memory_space<vmem>>, %arg13: memref<16xf32, #tpu.memory_space<vmem>>, %arg14: memref<!tpu.dma_semaphore, #tpu.memory_space<semaphore_mem>>, %arg15: memref<6x!tpu.dma_semaphore, #tpu.memory_space<semaphore_mem>>, %arg16: memref<6x!tpu.dma_semaphore, #tpu.memory_space<semaphore_mem>>) attributes {dimension_semantics = [#tpu.dimension_semantics<core_parallel>, #tpu.dimension_semantics<subcore_parallel>], iteration_bounds = array<i64: 2, 16>, scalar_prefetch = 0 : i64, scratch_operands = 11 : i64, tpu.core_type = #tpu.core_type<sc_vector_subcore>, window_params = [{transform_indices = #map}, {transform_indices = #map}, {transform_indices = #map}, {transform_indices = #map}]} {
    %mul3A = arith.constant 2 : i32
    %mul3A_0 = arith.muli %arg1, %mul3A : i32
    %add3A = arith.addi %mul3A_0, %arg0 : i32
    %mul3A_1 = arith.constant 512 : i32
    %mul3A_2 = arith.muli %add3A, %mul3A_1 : i32
    %mul3A_3 = arith.constant 8 : i32
    %mul3A_4 = arith.muli %arg1, %mul3A_3 : i32
    "tpu.region"() ({
      %run_scoped3A = tpu.sem_alloc : memref<!tpu.dma_semaphore, #tpu.memory_space<semaphore_mem>>
      %dma_start3A_381 = arith.constant 0 : i32
      %dma_start3A_382 = tpu.memref_slice %arg3[%mul3A_4, %dma_start3A_381] : memref<128x128xi32, #tpu.memory_space<hbm>> -> memref<8x128xi32, #tpu.memory_space<hbm>>
      %dma_start3A_383 = arith.constant 0 : i32
      %dma_start3A_384 = tpu.memref_slice %arg3[%mul3A_4, %dma_start3A_383] : memref<128x128xi32, #tpu.memory_space<hbm>> -> memref<8x128xi32, #tpu.memory_space<hbm>>
      tpu.enqueue_dma source(%dma_start3A_384 : memref<8x128xi32, #tpu.memory_space<hbm>>) target(%arg7 : memref<8x128xi32, #tpu.memory_space<vmem>>) target_semaphore(%run_scoped3A : memref<!tpu.dma_semaphore, #tpu.memory_space<semaphore_mem>>)
      %dma_wait3A_385 = arith.constant 0 : i32
      %dma_wait3A_386 = tpu.memref_slice %arg3[%mul3A_4, %dma_wait3A_385] : memref<128x128xi32, #tpu.memory_space<hbm>> -> memref<8x128xi32, #tpu.memory_space<hbm>>
      %dma_wait3A_387 = arith.constant 0 : i32
      %dma_wait3A_388 = tpu.memref_slice %arg3[%mul3A_4, %dma_wait3A_387] : memref<128x128xi32, #tpu.memory_space<hbm>> -> memref<8x128xi32, #tpu.memory_space<hbm>>
      tpu.wait_dma2 semaphore(%run_scoped3A : memref<!tpu.dma_semaphore, #tpu.memory_space<semaphore_mem>>) src(%dma_wait3A_388 : memref<8x128xi32, #tpu.memory_space<hbm>>) dst(%arg7 : memref<8x128xi32, #tpu.memory_space<vmem>>)
      tpu.yield
    }) : () -> ()
    %mul3A_5 = arith.constant 4 : i32
    %mul3A_6 = arith.muli %arg0, %mul3A_5 : i32
    %add3A_7 = arith.constant 0 : i32
    %add3A_8 = arith.addi %mul3A_6, %add3A_7 : i32
    %rem3A = arith.constant 0 : i32
    %rem3A_9 = arith.constant 8 : i32
    %rem3A_10 = arith.remsi %rem3A, %rem3A_9 : i32
    %mul3A_11 = arith.constant 16 : i32
    %mul3A_12 = arith.muli %rem3A_10, %mul3A_11 : i32
    %dma_start3A = arith.constant 0 : i32
    %dma_start3A_13 = arith.constant 0 : i32
    %dma_start3A_14 = arith.constant 0 : i32
    %dma_start3A_15 = arith.constant 0 : i32
    %dma_start3A_16 = tpu.memref_slice %arg11[%dma_start3A, %dma_start3A_14, %dma_start3A_15] : memref<6x16x512xf32, #tpu.memory_space<vmem>> -> memref<1x16x512xf32, #tpu.memory_space<vmem>>
    %dma_start3A_17 = tpu.memref_squeeze %dma_start3A_16 : memref<1x16x512xf32, #tpu.memory_space<vmem>> -> memref<16x512xf32, #tpu.memory_space<vmem>>
    %dma_start3A_18 = tpu.memref_slice %arg7[%add3A_8, %mul3A_12] : memref<8x128xi32, #tpu.memory_space<vmem>> -> memref<1x16xi32, #tpu.memory_space<vmem>>
    %dma_start3A_19 = tpu.memref_squeeze %dma_start3A_18 : memref<1x16xi32, #tpu.memory_space<vmem>> -> memref<16xi32, #tpu.memory_space<vmem>>
    %dma_start3A_20 = arith.constant 0 : i32
    %dma_start3A_21 = arith.constant 0 : i32
    %dma_start3A_22 = tpu.memref_slice %arg4[%dma_start3A_20, %dma_start3A_21] : memref<100000x512xf32, #tpu.memory_space<hbm>> -> memref<100000x512xf32, #tpu.memory_space<hbm>>
    %dma_start3A_23 = tpu.memref_slice %arg15[%dma_start3A_13] : memref<6x!tpu.dma_semaphore, #tpu.memory_space<semaphore_mem>> -> memref<1x!tpu.dma_semaphore, #tpu.memory_space<semaphore_mem>>
    %dma_start3A_24 = tpu.memref_squeeze %dma_start3A_23 : memref<1x!tpu.dma_semaphore, #tpu.memory_space<semaphore_mem>> -> memref<!tpu.dma_semaphore, #tpu.memory_space<semaphore_mem>>
    tpu.enqueue_indirect_dma source(%dma_start3A_22 : memref<100000x512xf32, #tpu.memory_space<hbm>>) target(%dma_start3A_17 : memref<16x512xf32, #tpu.memory_space<vmem>>) offsets(%dma_start3A_19 : memref<16xi32, #tpu.memory_space<vmem>>) semaphore(%dma_start3A_24 : memref<!tpu.dma_semaphore, #tpu.memory_space<semaphore_mem>>)
    %add3A_25 = arith.constant 0 : i32
    %add3A_26 = arith.addi %mul3A_2, %add3A_25 : i32
    %dma_start3A_27 = arith.constant 0 : i32
    %dma_start3A_28 = arith.constant 0 : i32
    %dma_start3A_29 = arith.constant 0 : i32
    %dma_start3A_30 = arith.constant 0 : i32
    %dma_start3A_31 = tpu.memref_slice %arg12[%dma_start3A_27, %dma_start3A_29, %dma_start3A_30] : memref<6x16x512xf32, #tpu.memory_space<vmem>> -> memref<1x16x512xf32, #tpu.memory_space<vmem>>
    %dma_start3A_32 = tpu.memref_squeeze %dma_start3A_31 : memref<1x16x512xf32, #tpu.memory_space<vmem>> -> memref<16x512xf32, #tpu.memory_space<vmem>>
    %dma_start3A_33 = arith.constant 0 : i32
    %dma_start3A_34 = tpu.memref_slice %arg2[%add3A_26, %dma_start3A_33] : memref<16384x512xf32, #tpu.memory_space<hbm>> -> memref<16x512xf32, #tpu.memory_space<hbm>>
    %dma_start3A_35 = tpu.memref_slice %arg16[%dma_start3A_28] : memref<6x!tpu.dma_semaphore, #tpu.memory_space<semaphore_mem>> -> memref<1x!tpu.dma_semaphore, #tpu.memory_space<semaphore_mem>>
    %dma_start3A_36 = tpu.memref_squeeze %dma_start3A_35 : memref<1x!tpu.dma_semaphore, #tpu.memory_space<semaphore_mem>> -> memref<!tpu.dma_semaphore, #tpu.memory_space<semaphore_mem>>
    %dma_start3A_37 = arith.constant 0 : i32
    %dma_start3A_38 = arith.constant 0 : i32
    %dma_start3A_39 = tpu.memref_slice %arg12[%dma_start3A_27, %dma_start3A_37, %dma_start3A_38] : memref<6x16x512xf32, #tpu.memory_space<vmem>> -> memref<1x16x512xf32, #tpu.memory_space<vmem>>
    %dma_start3A_40 = tpu.memref_squeeze %dma_start3A_39 : memref<1x16x512xf32, #tpu.memory_space<vmem>> -> memref<16x512xf32, #tpu.memory_space<vmem>>
    %dma_start3A_41 = arith.constant 0 : i32
    %dma_start3A_42 = tpu.memref_slice %arg2[%add3A_26, %dma_start3A_41] : memref<16384x512xf32, #tpu.memory_space<hbm>> -> memref<16x512xf32, #tpu.memory_space<hbm>>
    tpu.enqueue_dma source(%dma_start3A_42 : memref<16x512xf32, #tpu.memory_space<hbm>>) target(%dma_start3A_40 : memref<16x512xf32, #tpu.memory_space<vmem>>) target_semaphore(%dma_start3A_36 : memref<!tpu.dma_semaphore, #tpu.memory_space<semaphore_mem>>)
    %mul3A_43 = arith.constant 4 : i32
    %mul3A_44 = arith.muli %arg0, %mul3A_43 : i32
    %add3A_45 = arith.constant 0 : i32
    %add3A_46 = arith.addi %mul3A_44, %add3A_45 : i32
    %rem3A_47 = arith.constant 1 : i32
    %rem3A_48 = arith.constant 8 : i32
    %rem3A_49 = arith.remsi %rem3A_47, %rem3A_48 : i32
    %mul3A_50 = arith.constant 16 : i32
    %mul3A_51 = arith.muli %rem3A_49, %mul3A_50 : i32
    %dma_start3A_52 = arith.constant 1 : i32
    %dma_start3A_53 = arith.constant 1 : i32
    %dma_start3A_54 = arith.constant 0 : i32
    %dma_start3A_55 = arith.constant 0 : i32
    %dma_start3A_56 = tpu.memref_slice %arg11[%dma_start3A_52, %dma_start3A_54, %dma_start3A_55] : memref<6x16x512xf32, #tpu.memory_space<vmem>> -> memref<1x16x512xf32, #tpu.memory_space<vmem>>
    %dma_start3A_57 = tpu.memref_squeeze %dma_start3A_56 : memref<1x16x512xf32, #tpu.memory_space<vmem>> -> memref<16x512xf32, #tpu.memory_space<vmem>>
    %dma_start3A_58 = tpu.memref_slice %arg7[%add3A_46, %mul3A_51] : memref<8x128xi32, #tpu.memory_space<vmem>> -> memref<1x16xi32, #tpu.memory_space<vmem>>
    %dma_start3A_59 = tpu.memref_squeeze %dma_start3A_58 : memref<1x16xi32, #tpu.memory_space<vmem>> -> memref<16xi32, #tpu.memory_space<vmem>>
    %dma_start3A_60 = arith.constant 0 : i32
    %dma_start3A_61 = arith.constant 0 : i32
    %dma_start3A_62 = tpu.memref_slice %arg4[%dma_start3A_60, %dma_start3A_61] : memref<100000x512xf32, #tpu.memory_space<hbm>> -> memref<100000x512xf32, #tpu.memory_space<hbm>>
    %dma_start3A_63 = tpu.memref_slice %arg15[%dma_start3A_53] : memref<6x!tpu.dma_semaphore, #tpu.memory_space<semaphore_mem>> -> memref<1x!tpu.dma_semaphore, #tpu.memory_space<semaphore_mem>>
    %dma_start3A_64 = tpu.memref_squeeze %dma_start3A_63 : memref<1x!tpu.dma_semaphore, #tpu.memory_space<semaphore_mem>> -> memref<!tpu.dma_semaphore, #tpu.memory_space<semaphore_mem>>
    tpu.enqueue_indirect_dma source(%dma_start3A_62 : memref<100000x512xf32, #tpu.memory_space<hbm>>) target(%dma_start3A_57 : memref<16x512xf32, #tpu.memory_space<vmem>>) offsets(%dma_start3A_59 : memref<16xi32, #tpu.memory_space<vmem>>) semaphore(%dma_start3A_64 : memref<!tpu.dma_semaphore, #tpu.memory_space<semaphore_mem>>)
    %add3A_65 = arith.constant 16 : i32
    %add3A_66 = arith.addi %mul3A_2, %add3A_65 : i32
    %dma_start3A_67 = arith.constant 1 : i32
    %dma_start3A_68 = arith.constant 1 : i32
    %dma_start3A_69 = arith.constant 0 : i32
    %dma_start3A_70 = arith.constant 0 : i32
    %dma_start3A_71 = tpu.memref_slice %arg12[%dma_start3A_67, %dma_start3A_69, %dma_start3A_70] : memref<6x16x512xf32, #tpu.memory_space<vmem>> -> memref<1x16x512xf32, #tpu.memory_space<vmem>>
    %dma_start3A_72 = tpu.memref_squeeze %dma_start3A_71 : memref<1x16x512xf32, #tpu.memory_space<vmem>> -> memref<16x512xf32, #tpu.memory_space<vmem>>
    %dma_start3A_73 = arith.constant 0 : i32
    %dma_start3A_74 = tpu.memref_slice %arg2[%add3A_66, %dma_start3A_73] : memref<16384x512xf32, #tpu.memory_space<hbm>> -> memref<16x512xf32, #tpu.memory_space<hbm>>
    %dma_start3A_75 = tpu.memref_slice %arg16[%dma_start3A_68] : memref<6x!tpu.dma_semaphore, #tpu.memory_space<semaphore_mem>> -> memref<1x!tpu.dma_semaphore, #tpu.memory_space<semaphore_mem>>
    %dma_start3A_76 = tpu.memref_squeeze %dma_start3A_75 : memref<1x!tpu.dma_semaphore, #tpu.memory_space<semaphore_mem>> -> memref<!tpu.dma_semaphore, #tpu.memory_space<semaphore_mem>>
    %dma_start3A_77 = arith.constant 0 : i32
    %dma_start3A_78 = arith.constant 0 : i32
    %dma_start3A_79 = tpu.memref_slice %arg12[%dma_start3A_67, %dma_start3A_77, %dma_start3A_78] : memref<6x16x512xf32, #tpu.memory_space<vmem>> -> memref<1x16x512xf32, #tpu.memory_space<vmem>>
    %dma_start3A_80 = tpu.memref_squeeze %dma_start3A_79 : memref<1x16x512xf32, #tpu.memory_space<vmem>> -> memref<16x512xf32, #tpu.memory_space<vmem>>
    %dma_start3A_81 = arith.constant 0 : i32
    %dma_start3A_82 = tpu.memref_slice %arg2[%add3A_66, %dma_start3A_81] : memref<16384x512xf32, #tpu.memory_space<hbm>> -> memref<16x512xf32, #tpu.memory_space<hbm>>
    tpu.enqueue_dma source(%dma_start3A_82 : memref<16x512xf32, #tpu.memory_space<hbm>>) target(%dma_start3A_80 : memref<16x512xf32, #tpu.memory_space<vmem>>) target_semaphore(%dma_start3A_76 : memref<!tpu.dma_semaphore, #tpu.memory_space<semaphore_mem>>)
    %mul3A_83 = arith.constant 4 : i32
    %mul3A_84 = arith.muli %arg0, %mul3A_83 : i32
    %add3A_85 = arith.constant 0 : i32
    %add3A_86 = arith.addi %mul3A_84, %add3A_85 : i32
    %rem3A_87 = arith.constant 2 : i32
    %rem3A_88 = arith.constant 8 : i32
    %rem3A_89 = arith.remsi %rem3A_87, %rem3A_88 : i32
    %mul3A_90 = arith.constant 16 : i32
    %mul3A_91 = arith.muli %rem3A_89, %mul3A_90 : i32
    %dma_start3A_92 = arith.constant 2 : i32
    %dma_start3A_93 = arith.constant 2 : i32
    %dma_start3A_94 = arith.constant 0 : i32
    %dma_start3A_95 = arith.constant 0 : i32
    %dma_start3A_96 = tpu.memref_slice %arg11[%dma_start3A_92, %dma_start3A_94, %dma_start3A_95] : memref<6x16x512xf32, #tpu.memory_space<vmem>> -> memref<1x16x512xf32, #tpu.memory_space<vmem>>
    %dma_start3A_97 = tpu.memref_squeeze %dma_start3A_96 : memref<1x16x512xf32, #tpu.memory_space<vmem>> -> memref<16x512xf32, #tpu.memory_space<vmem>>
    %dma_start3A_98 = tpu.memref_slice %arg7[%add3A_86, %mul3A_91] : memref<8x128xi32, #tpu.memory_space<vmem>> -> memref<1x16xi32, #tpu.memory_space<vmem>>
    %dma_start3A_99 = tpu.memref_squeeze %dma_start3A_98 : memref<1x16xi32, #tpu.memory_space<vmem>> -> memref<16xi32, #tpu.memory_space<vmem>>
    %dma_start3A_100 = arith.constant 0 : i32
    %dma_start3A_101 = arith.constant 0 : i32
    %dma_start3A_102 = tpu.memref_slice %arg4[%dma_start3A_100, %dma_start3A_101] : memref<100000x512xf32, #tpu.memory_space<hbm>> -> memref<100000x512xf32, #tpu.memory_space<hbm>>
    %dma_start3A_103 = tpu.memref_slice %arg15[%dma_start3A_93] : memref<6x!tpu.dma_semaphore, #tpu.memory_space<semaphore_mem>> -> memref<1x!tpu.dma_semaphore, #tpu.memory_space<semaphore_mem>>
    %dma_start3A_104 = tpu.memref_squeeze %dma_start3A_103 : memref<1x!tpu.dma_semaphore, #tpu.memory_space<semaphore_mem>> -> memref<!tpu.dma_semaphore, #tpu.memory_space<semaphore_mem>>
    tpu.enqueue_indirect_dma source(%dma_start3A_102 : memref<100000x512xf32, #tpu.memory_space<hbm>>) target(%dma_start3A_97 : memref<16x512xf32, #tpu.memory_space<vmem>>) offsets(%dma_start3A_99 : memref<16xi32, #tpu.memory_space<vmem>>) semaphore(%dma_start3A_104 : memref<!tpu.dma_semaphore, #tpu.memory_space<semaphore_mem>>)
    %add3A_105 = arith.constant 32 : i32
    %add3A_106 = arith.addi %mul3A_2, %add3A_105 : i32
    %dma_start3A_107 = arith.constant 2 : i32
    %dma_start3A_108 = arith.constant 2 : i32
    %dma_start3A_109 = arith.constant 0 : i32
    %dma_start3A_110 = arith.constant 0 : i32
    %dma_start3A_111 = tpu.memref_slice %arg12[%dma_start3A_107, %dma_start3A_109, %dma_start3A_110] : memref<6x16x512xf32, #tpu.memory_space<vmem>> -> memref<1x16x512xf32, #tpu.memory_space<vmem>>
    %dma_start3A_112 = tpu.memref_squeeze %dma_start3A_111 : memref<1x16x512xf32, #tpu.memory_space<vmem>> -> memref<16x512xf32, #tpu.memory_space<vmem>>
    %dma_start3A_113 = arith.constant 0 : i32
    %dma_start3A_114 = tpu.memref_slice %arg2[%add3A_106, %dma_start3A_113] : memref<16384x512xf32, #tpu.memory_space<hbm>> -> memref<16x512xf32, #tpu.memory_space<hbm>>
    %dma_start3A_115 = tpu.memref_slice %arg16[%dma_start3A_108] : memref<6x!tpu.dma_semaphore, #tpu.memory_space<semaphore_mem>> -> memref<1x!tpu.dma_semaphore, #tpu.memory_space<semaphore_mem>>
    %dma_start3A_116 = tpu.memref_squeeze %dma_start3A_115 : memref<1x!tpu.dma_semaphore, #tpu.memory_space<semaphore_mem>> -> memref<!tpu.dma_semaphore, #tpu.memory_space<semaphore_mem>>
    %dma_start3A_117 = arith.constant 0 : i32
    %dma_start3A_118 = arith.constant 0 : i32
    %dma_start3A_119 = tpu.memref_slice %arg12[%dma_start3A_107, %dma_start3A_117, %dma_start3A_118] : memref<6x16x512xf32, #tpu.memory_space<vmem>> -> memref<1x16x512xf32, #tpu.memory_space<vmem>>
    %dma_start3A_120 = tpu.memref_squeeze %dma_start3A_119 : memref<1x16x512xf32, #tpu.memory_space<vmem>> -> memref<16x512xf32, #tpu.memory_space<vmem>>
    %dma_start3A_121 = arith.constant 0 : i32
    %dma_start3A_122 = tpu.memref_slice %arg2[%add3A_106, %dma_start3A_121] : memref<16384x512xf32, #tpu.memory_space<hbm>> -> memref<16x512xf32, #tpu.memory_space<hbm>>
    tpu.enqueue_dma source(%dma_start3A_122 : memref<16x512xf32, #tpu.memory_space<hbm>>) target(%dma_start3A_120 : memref<16x512xf32, #tpu.memory_space<vmem>>) target_semaphore(%dma_start3A_116 : memref<!tpu.dma_semaphore, #tpu.memory_space<semaphore_mem>>)
    %mul3A_123 = arith.constant 4 : i32
    %mul3A_124 = arith.muli %arg0, %mul3A_123 : i32
    %add3A_125 = arith.constant 0 : i32
    %add3A_126 = arith.addi %mul3A_124, %add3A_125 : i32
    %rem3A_127 = arith.constant 3 : i32
    %rem3A_128 = arith.constant 8 : i32
    %rem3A_129 = arith.remsi %rem3A_127, %rem3A_128 : i32
    %mul3A_130 = arith.constant 16 : i32
    %mul3A_131 = arith.muli %rem3A_129, %mul3A_130 : i32
    %dma_start3A_132 = arith.constant 3 : i32
    %dma_start3A_133 = arith.constant 3 : i32
    %dma_start3A_134 = arith.constant 0 : i32
    %dma_start3A_135 = arith.constant 0 : i32
    %dma_start3A_136 = tpu.memref_slice %arg11[%dma_start3A_132, %dma_start3A_134, %dma_start3A_135] : memref<6x16x512xf32, #tpu.memory_space<vmem>> -> memref<1x16x512xf32, #tpu.memory_space<vmem>>
    %dma_start3A_137 = tpu.memref_squeeze %dma_start3A_136 : memref<1x16x512xf32, #tpu.memory_space<vmem>> -> memref<16x512xf32, #tpu.memory_space<vmem>>
    %dma_start3A_138 = tpu.memref_slice %arg7[%add3A_126, %mul3A_131] : memref<8x128xi32, #tpu.memory_space<vmem>> -> memref<1x16xi32, #tpu.memory_space<vmem>>
    %dma_start3A_139 = tpu.memref_squeeze %dma_start3A_138 : memref<1x16xi32, #tpu.memory_space<vmem>> -> memref<16xi32, #tpu.memory_space<vmem>>
    %dma_start3A_140 = arith.constant 0 : i32
    %dma_start3A_141 = arith.constant 0 : i32
    %dma_start3A_142 = tpu.memref_slice %arg4[%dma_start3A_140, %dma_start3A_141] : memref<100000x512xf32, #tpu.memory_space<hbm>> -> memref<100000x512xf32, #tpu.memory_space<hbm>>
    %dma_start3A_143 = tpu.memref_slice %arg15[%dma_start3A_133] : memref<6x!tpu.dma_semaphore, #tpu.memory_space<semaphore_mem>> -> memref<1x!tpu.dma_semaphore, #tpu.memory_space<semaphore_mem>>
    %dma_start3A_144 = tpu.memref_squeeze %dma_start3A_143 : memref<1x!tpu.dma_semaphore, #tpu.memory_space<semaphore_mem>> -> memref<!tpu.dma_semaphore, #tpu.memory_space<semaphore_mem>>
    tpu.enqueue_indirect_dma source(%dma_start3A_142 : memref<100000x512xf32, #tpu.memory_space<hbm>>) target(%dma_start3A_137 : memref<16x512xf32, #tpu.memory_space<vmem>>) offsets(%dma_start3A_139 : memref<16xi32, #tpu.memory_space<vmem>>) semaphore(%dma_start3A_144 : memref<!tpu.dma_semaphore, #tpu.memory_space<semaphore_mem>>)
    %add3A_145 = arith.constant 48 : i32
    %add3A_146 = arith.addi %mul3A_2, %add3A_145 : i32
    %dma_start3A_147 = arith.constant 3 : i32
    %dma_start3A_148 = arith.constant 3 : i32
    %dma_start3A_149 = arith.constant 0 : i32
    %dma_start3A_150 = arith.constant 0 : i32
    %dma_start3A_151 = tpu.memref_slice %arg12[%dma_start3A_147, %dma_start3A_149, %dma_start3A_150] : memref<6x16x512xf32, #tpu.memory_space<vmem>> -> memref<1x16x512xf32, #tpu.memory_space<vmem>>
    %dma_start3A_152 = tpu.memref_squeeze %dma_start3A_151 : memref<1x16x512xf32, #tpu.memory_space<vmem>> -> memref<16x512xf32, #tpu.memory_space<vmem>>
    %dma_start3A_153 = arith.constant 0 : i32
    %dma_start3A_154 = tpu.memref_slice %arg2[%add3A_146, %dma_start3A_153] : memref<16384x512xf32, #tpu.memory_space<hbm>> -> memref<16x512xf32, #tpu.memory_space<hbm>>
    %dma_start3A_155 = tpu.memref_slice %arg16[%dma_start3A_148] : memref<6x!tpu.dma_semaphore, #tpu.memory_space<semaphore_mem>> -> memref<1x!tpu.dma_semaphore, #tpu.memory_space<semaphore_mem>>
    %dma_start3A_156 = tpu.memref_squeeze %dma_start3A_155 : memref<1x!tpu.dma_semaphore, #tpu.memory_space<semaphore_mem>> -> memref<!tpu.dma_semaphore, #tpu.memory_space<semaphore_mem>>
    %dma_start3A_157 = arith.constant 0 : i32
    %dma_start3A_158 = arith.constant 0 : i32
    %dma_start3A_159 = tpu.memref_slice %arg12[%dma_start3A_147, %dma_start3A_157, %dma_start3A_158] : memref<6x16x512xf32, #tpu.memory_space<vmem>> -> memref<1x16x512xf32, #tpu.memory_space<vmem>>
    %dma_start3A_160 = tpu.memref_squeeze %dma_start3A_159 : memref<1x16x512xf32, #tpu.memory_space<vmem>> -> memref<16x512xf32, #tpu.memory_space<vmem>>
    %dma_start3A_161 = arith.constant 0 : i32
    %dma_start3A_162 = tpu.memref_slice %arg2[%add3A_146, %dma_start3A_161] : memref<16384x512xf32, #tpu.memory_space<hbm>> -> memref<16x512xf32, #tpu.memory_space<hbm>>
    tpu.enqueue_dma source(%dma_start3A_162 : memref<16x512xf32, #tpu.memory_space<hbm>>) target(%dma_start3A_160 : memref<16x512xf32, #tpu.memory_space<vmem>>) target_semaphore(%dma_start3A_156 : memref<!tpu.dma_semaphore, #tpu.memory_space<semaphore_mem>>)
    %broadcast_in_dim3A = arith.constant 0.000000e+00 : f32
    %broadcast_in_dim3A_163 = vector.broadcast %broadcast_in_dim3A : f32 to vector<16xf32>
    %broadcast_in_dim3A_164 = arith.constant 1.000000e+00 : f32
    %broadcast_in_dim3A_165 = vector.broadcast %broadcast_in_dim3A_164 : f32 to vector<16xf32>
    %scan3A = arith.constant 0 : i32
    %scan3A_166 = arith.constant 0 : i32
    %scan3A_167 = arith.constant 49 : i32
    %scan3A_168 = arith.addi %scan3A_166, %scan3A_167 : i32
    %scan3A_169 = arith.constant 1 : i32
    %scan3A_170 = scf.for %scan3A_381 = %scan3A_166 to %scan3A_168 step %scan3A_169 iter_args(%scan3A_382 = %scan3A) -> (i32)  : i32 {
      %mul3A_383 = arith.constant 8 : i32
      %mul3A_384 = arith.muli %scan3A_381, %mul3A_383 : i32
      %mul3A_385 = arith.constant 16 : i32
      %mul3A_386 = arith.muli %mul3A_384, %mul3A_385 : i32
      %add3A_387 = arith.constant 0 : i32
      %add3A_388 = arith.addi %mul3A_386, %add3A_387 : i32
      %swap3A_389 = arith.index_cast %add3A_388 : i32 to index
      %swap3A_390 = tpu.vector_load %arg9[%swap3A_389] {strides = array<i32>} : memref<6272xf32, #tpu.memory_space<vmem>>, vector<16xf32>,
      tpu.vector_store %arg9[%swap3A_389], %broadcast_in_dim3A_163 {strides = array<i32>} : memref<6272xf32, #tpu.memory_space<vmem>>, vector<16xf32>,
      %mul3A_391 = arith.constant 8 : i32
      %mul3A_392 = arith.muli %scan3A_381, %mul3A_391 : i32
      %mul3A_393 = arith.constant 16 : i32
      %mul3A_394 = arith.muli %mul3A_392, %mul3A_393 : i32
      %add3A_395 = arith.constant 16 : i32
      %add3A_396 = arith.addi %mul3A_394, %add3A_395 : i32
      %swap3A_397 = arith.index_cast %add3A_396 : i32 to index
      %swap3A_398 = tpu.vector_load %arg9[%swap3A_397] {strides = array<i32>} : memref<6272xf32, #tpu.memory_space<vmem>>, vector<16xf32>,
      tpu.vector_store %arg9[%swap3A_397], %broadcast_in_dim3A_163 {strides = array<i32>} : memref<6272xf32, #tpu.memory_space<vmem>>, vector<16xf32>,
      %mul3A_399 = arith.constant 8 : i32
      %mul3A_400 = arith.muli %scan3A_381, %mul3A_399 : i32
      %mul3A_401 = arith.constant 16 : i32
      %mul3A_402 = arith.muli %mul3A_400, %mul3A_401 : i32
      %add3A_403 = arith.constant 32 : i32
      %add3A_404 = arith.addi %mul3A_402, %add3A_403 : i32
      %swap3A_405 = arith.index_cast %add3A_404 : i32 to index
      %swap3A_406 = tpu.vector_load %arg9[%swap3A_405] {strides = array<i32>} : memref<6272xf32, #tpu.memory_space<vmem>>, vector<16xf32>,
      tpu.vector_store %arg9[%swap3A_405], %broadcast_in_dim3A_163 {strides = array<i32>} : memref<6272xf32, #tpu.memory_space<vmem>>, vector<16xf32>,
      %mul3A_407 = arith.constant 8 : i32
      %mul3A_408 = arith.muli %scan3A_381, %mul3A_407 : i32
      %mul3A_409 = arith.constant 16 : i32
      %mul3A_410 = arith.muli %mul3A_408, %mul3A_409 : i32
      %add3A_411 = arith.constant 48 : i32
      %add3A_412 = arith.addi %mul3A_410, %add3A_411 : i32
      %swap3A_413 = arith.index_cast %add3A_412 : i32 to index
      %swap3A_414 = tpu.vector_load %arg9[%swap3A_413] {strides = array<i32>} : memref<6272xf32, #tpu.memory_space<vmem>>, vector<16xf32>,
      tpu.vector_store %arg9[%swap3A_413], %broadcast_in_dim3A_163 {strides = array<i32>} : memref<6272xf32, #tpu.memory_space<vmem>>, vector<16xf32>,
      %mul3A_415 = arith.constant 8 : i32
      %mul3A_416 = arith.muli %scan3A_381, %mul3A_415 : i32
      %mul3A_417 = arith.constant 16 : i32
      %mul3A_418 = arith.muli %mul3A_416, %mul3A_417 : i32
      %add3A_419 = arith.constant 64 : i32
      %add3A_420 = arith.addi %mul3A_418, %add3A_419 : i32
      %swap3A_421 = arith.index_cast %add3A_420 : i32 to index
      %swap3A_422 = tpu.vector_load %arg9[%swap3A_421] {strides = array<i32>} : memref<6272xf32, #tpu.memory_space<vmem>>, vector<16xf32>,
      tpu.vector_store %arg9[%swap3A_421], %broadcast_in_dim3A_163 {strides = array<i32>} : memref<6272xf32, #tpu.memory_space<vmem>>, vector<16xf32>,
      %mul3A_423 = arith.constant 8 : i32
      %mul3A_424 = arith.muli %scan3A_381, %mul3A_423 : i32
      %mul3A_425 = arith.constant 16 : i32
      %mul3A_426 = arith.muli %mul3A_424, %mul3A_425 : i32
      %add3A_427 = arith.constant 80 : i32
      %add3A_428 = arith.addi %mul3A_426, %add3A_427 : i32
      %swap3A_429 = arith.index_cast %add3A_428 : i32 to index
      %swap3A_430 = tpu.vector_load %arg9[%swap3A_429] {strides = array<i32>} : memref<6272xf32, #tpu.memory_space<vmem>>, vector<16xf32>,
      tpu.vector_store %arg9[%swap3A_429], %broadcast_in_dim3A_163 {strides = array<i32>} : memref<6272xf32, #tpu.memory_space<vmem>>, vector<16xf32>,
      %mul3A_431 = arith.constant 8 : i32
      %mul3A_432 = arith.muli %scan3A_381, %mul3A_431 : i32
      %mul3A_433 = arith.constant 16 : i32
      %mul3A_434 = arith.muli %mul3A_432, %mul3A_433 : i32
      %add3A_435 = arith.constant 96 : i32
      %add3A_436 = arith.addi %mul3A_434, %add3A_435 : i32
      %swap3A_437 = arith.index_cast %add3A_436 : i32 to index
      %swap3A_438 = tpu.vector_load %arg9[%swap3A_437] {strides = array<i32>} : memref<6272xf32, #tpu.memory_space<vmem>>, vector<16xf32>,
      tpu.vector_store %arg9[%swap3A_437], %broadcast_in_dim3A_163 {strides = array<i32>} : memref<6272xf32, #tpu.memory_space<vmem>>, vector<16xf32>,
      %mul3A_439 = arith.constant 8 : i32
      %mul3A_440 = arith.muli %scan3A_381, %mul3A_439 : i32
      %mul3A_441 = arith.constant 16 : i32
      %mul3A_442 = arith.muli %mul3A_440, %mul3A_441 : i32
      %add3A_443 = arith.constant 112 : i32
      %add3A_444 = arith.addi %mul3A_442, %add3A_443 : i32
      %swap3A_445 = arith.index_cast %add3A_444 : i32 to index
      %swap3A_446 = tpu.vector_load %arg9[%swap3A_445] {strides = array<i32>} : memref<6272xf32, #tpu.memory_space<vmem>>, vector<16xf32>,
      tpu.vector_store %arg9[%swap3A_445], %broadcast_in_dim3A_163 {strides = array<i32>} : memref<6272xf32, #tpu.memory_space<vmem>>, vector<16xf32>,
      %scan3A_447 = arith.constant 0 : i32
      scf.yield %scan3A_447 : i32
    }
    %scan3A_171 = arith.constant 49 : i32
    %scan3A_172 = arith.constant 0 : i32
    %scan3A_173 = arith.constant 0 : i32
    %scan3A_174 = arith.constant 8 : i32
    %scan3A_175 = arith.addi %scan3A_173, %scan3A_174 : i32
    %scan3A_176 = arith.constant 1 : i32
    %scan3A_177 = scf.for %scan3A_381 = %scan3A_173 to %scan3A_175 step %scan3A_176 iter_args(%scan3A_382 = %scan3A_172) -> (i32)  : i32 {
      %mul3A_383 = arith.constant 16 : i32
      %mul3A_384 = arith.muli %scan3A_381, %mul3A_383 : i32
      %swap3A_385 = arith.index_cast %mul3A_384 : i32 to index
      %swap3A_386 = tpu.vector_load %arg10[%swap3A_385] {strides = array<i32>} : memref<128xf32, #tpu.memory_space<vmem>>, vector<16xf32>,
      tpu.vector_store %arg10[%swap3A_385], %broadcast_in_dim3A_165 {strides = array<i32>} : memref<128xf32, #tpu.memory_space<vmem>>, vector<16xf32>,
      %scan3A_387 = arith.constant 0 : i32
      scf.yield %scan3A_387 : i32
    }
    %scan3A_178 = arith.constant 8 : i32
    %mul3A_179 = arith.constant 6272 : i32
    %mul3A_180 = arith.muli %arg1, %mul3A_179 : i32
    "tpu.region"() ({
      %run_scoped3A = tpu.sem_alloc : memref<!tpu.dma_semaphore, #tpu.memory_space<semaphore_mem>>
      %dma_start3A_381 = tpu.memref_slice %arg6[%mul3A_180] : memref<100352xf32, #tpu.memory_space<vmem_shared>> -> memref<6272xf32, #tpu.memory_space<vmem_shared>>
      %dma_start3A_382 = tpu.memref_slice %arg6[%mul3A_180] : memref<100352xf32, #tpu.memory_space<vmem_shared>> -> memref<6272xf32, #tpu.memory_space<vmem_shared>>
      tpu.enqueue_dma source(%arg9 : memref<6272xf32, #tpu.memory_space<vmem>>) target(%dma_start3A_382 : memref<6272xf32, #tpu.memory_space<vmem_shared>>) target_semaphore(%run_scoped3A : memref<!tpu.dma_semaphore, #tpu.memory_space<semaphore_mem>>)
      %dma_wait3A_383 = tpu.memref_slice %arg6[%mul3A_180] : memref<100352xf32, #tpu.memory_space<vmem_shared>> -> memref<6272xf32, #tpu.memory_space<vmem_shared>>
      %dma_wait3A_384 = tpu.memref_slice %arg6[%mul3A_180] : memref<100352xf32, #tpu.memory_space<vmem_shared>> -> memref<6272xf32, #tpu.memory_space<vmem_shared>>
      tpu.wait_dma2 semaphore(%run_scoped3A : memref<!tpu.dma_semaphore, #tpu.memory_space<semaphore_mem>>) src(%arg9 : memref<6272xf32, #tpu.memory_space<vmem>>) dst(%dma_wait3A_384 : memref<6272xf32, #tpu.memory_space<vmem_shared>>)
      tpu.yield
    }) : () -> ()
    %barrier3A = arith.constant 0 : index
    tpu.barrier barrier_id(%barrier3A)
    %dma_start3A_181 = arith.constant 0 : i32
    %dma_start3A_182 = arith.constant 0 : i32
    %dma_start3A_183 = tpu.memref_slice %arg7[%dma_start3A_181, %dma_start3A_182] : memref<8x128xi32, #tpu.memory_space<vmem>> -> memref<1x128xi32, #tpu.memory_space<vmem>>
    %dma_start3A_184 = tpu.memref_squeeze %dma_start3A_183 : memref<1x128xi32, #tpu.memory_space<vmem>> -> memref<128xi32, #tpu.memory_space<vmem>>
    %dma_start3A_185 = arith.constant 0 : i32
    %dma_start3A_186 = tpu.memref_slice %arg6[%dma_start3A_185] : memref<100352xf32, #tpu.memory_space<vmem_shared>> -> memref<100352xf32, #tpu.memory_space<vmem_shared>>
    tpu.enqueue_indirect_dma source(%arg10 : memref<128xf32, #tpu.memory_space<vmem>>) target(%dma_start3A_186 : memref<100352xf32, #tpu.memory_space<vmem_shared>>) offsets(%dma_start3A_184 : memref<128xi32, #tpu.memory_space<vmem>>) semaphore(%arg14 : memref<!tpu.dma_semaphore, #tpu.memory_space<semaphore_mem>>) {add = true}
    %dma_start3A_187 = arith.constant 1 : i32
    %dma_start3A_188 = arith.constant 0 : i32
    %dma_start3A_189 = tpu.memref_slice %arg7[%dma_start3A_187, %dma_start3A_188] : memref<8x128xi32, #tpu.memory_space<vmem>> -> memref<1x128xi32, #tpu.memory_space<vmem>>
    %dma_start3A_190 = tpu.memref_squeeze %dma_start3A_189 : memref<1x128xi32, #tpu.memory_space<vmem>> -> memref<128xi32, #tpu.memory_space<vmem>>
    %dma_start3A_191 = arith.constant 0 : i32
    %dma_start3A_192 = tpu.memref_slice %arg6[%dma_start3A_191] : memref<100352xf32, #tpu.memory_space<vmem_shared>> -> memref<100352xf32, #tpu.memory_space<vmem_shared>>
    tpu.enqueue_indirect_dma source(%arg10 : memref<128xf32, #tpu.memory_space<vmem>>) target(%dma_start3A_192 : memref<100352xf32, #tpu.memory_space<vmem_shared>>) offsets(%dma_start3A_190 : memref<128xi32, #tpu.memory_space<vmem>>) semaphore(%arg14 : memref<!tpu.dma_semaphore, #tpu.memory_space<semaphore_mem>>) {add = true}
    %dma_start3A_193 = arith.constant 2 : i32
    %dma_start3A_194 = arith.constant 0 : i32
    %dma_start3A_195 = tpu.memref_slice %arg7[%dma_start3A_193, %dma_start3A_194] : memref<8x128xi32, #tpu.memory_space<vmem>> -> memref<1x128xi32, #tpu.memory_space<vmem>>
    %dma_start3A_196 = tpu.memref_squeeze %dma_start3A_195 : memref<1x128xi32, #tpu.memory_space<vmem>> -> memref<128xi32, #tpu.memory_space<vmem>>
    %dma_start3A_197 = arith.constant 0 : i32
    %dma_start3A_198 = tpu.memref_slice %arg6[%dma_start3A_197] : memref<100352xf32, #tpu.memory_space<vmem_shared>> -> memref<100352xf32, #tpu.memory_space<vmem_shared>>
    tpu.enqueue_indirect_dma source(%arg10 : memref<128xf32, #tpu.memory_space<vmem>>) target(%dma_start3A_198 : memref<100352xf32, #tpu.memory_space<vmem_shared>>) offsets(%dma_start3A_196 : memref<128xi32, #tpu.memory_space<vmem>>) semaphore(%arg14 : memref<!tpu.dma_semaphore, #tpu.memory_space<semaphore_mem>>) {add = true}
    %dma_start3A_199 = arith.constant 3 : i32
    %dma_start3A_200 = arith.constant 0 : i32
    %dma_start3A_201 = tpu.memref_slice %arg7[%dma_start3A_199, %dma_start3A_200] : memref<8x128xi32, #tpu.memory_space<vmem>> -> memref<1x128xi32, #tpu.memory_space<vmem>>
    %dma_start3A_202 = tpu.memref_squeeze %dma_start3A_201 : memref<1x128xi32, #tpu.memory_space<vmem>> -> memref<128xi32, #tpu.memory_space<vmem>>
    %dma_start3A_203 = arith.constant 0 : i32
    %dma_start3A_204 = tpu.memref_slice %arg6[%dma_start3A_203] : memref<100352xf32, #tpu.memory_space<vmem_shared>> -> memref<100352xf32, #tpu.memory_space<vmem_shared>>
    tpu.enqueue_indirect_dma source(%arg10 : memref<128xf32, #tpu.memory_space<vmem>>) target(%dma_start3A_204 : memref<100352xf32, #tpu.memory_space<vmem_shared>>) offsets(%dma_start3A_202 : memref<128xi32, #tpu.memory_space<vmem>>) semaphore(%arg14 : memref<!tpu.dma_semaphore, #tpu.memory_space<semaphore_mem>>) {add = true}
    %dma_start3A_205 = arith.constant 4 : i32
    %dma_start3A_206 = arith.constant 0 : i32
    %dma_start3A_207 = tpu.memref_slice %arg7[%dma_start3A_205, %dma_start3A_206] : memref<8x128xi32, #tpu.memory_space<vmem>> -> memref<1x128xi32, #tpu.memory_space<vmem>>
    %dma_start3A_208 = tpu.memref_squeeze %dma_start3A_207 : memref<1x128xi32, #tpu.memory_space<vmem>> -> memref<128xi32, #tpu.memory_space<vmem>>
    %dma_start3A_209 = arith.constant 0 : i32
    %dma_start3A_210 = tpu.memref_slice %arg6[%dma_start3A_209] : memref<100352xf32, #tpu.memory_space<vmem_shared>> -> memref<100352xf32, #tpu.memory_space<vmem_shared>>
    tpu.enqueue_indirect_dma source(%arg10 : memref<128xf32, #tpu.memory_space<vmem>>) target(%dma_start3A_210 : memref<100352xf32, #tpu.memory_space<vmem_shared>>) offsets(%dma_start3A_208 : memref<128xi32, #tpu.memory_space<vmem>>) semaphore(%arg14 : memref<!tpu.dma_semaphore, #tpu.memory_space<semaphore_mem>>) {add = true}
    %dma_start3A_211 = arith.constant 5 : i32
    %dma_start3A_212 = arith.constant 0 : i32
    %dma_start3A_213 = tpu.memref_slice %arg7[%dma_start3A_211, %dma_start3A_212] : memref<8x128xi32, #tpu.memory_space<vmem>> -> memref<1x128xi32, #tpu.memory_space<vmem>>
    %dma_start3A_214 = tpu.memref_squeeze %dma_start3A_213 : memref<1x128xi32, #tpu.memory_space<vmem>> -> memref<128xi32, #tpu.memory_space<vmem>>
    %dma_start3A_215 = arith.constant 0 : i32
    %dma_start3A_216 = tpu.memref_slice %arg6[%dma_start3A_215] : memref<100352xf32, #tpu.memory_space<vmem_shared>> -> memref<100352xf32, #tpu.memory_space<vmem_shared>>
    tpu.enqueue_indirect_dma source(%arg10 : memref<128xf32, #tpu.memory_space<vmem>>) target(%dma_start3A_216 : memref<100352xf32, #tpu.memory_space<vmem_shared>>) offsets(%dma_start3A_214 : memref<128xi32, #tpu.memory_space<vmem>>) semaphore(%arg14 : memref<!tpu.dma_semaphore, #tpu.memory_space<semaphore_mem>>) {add = true}
    %dma_start3A_217 = arith.constant 6 : i32
    %dma_start3A_218 = arith.constant 0 : i32
    %dma_start3A_219 = tpu.memref_slice %arg7[%dma_start3A_217, %dma_start3A_218] : memref<8x128xi32, #tpu.memory_space<vmem>> -> memref<1x128xi32, #tpu.memory_space<vmem>>
    %dma_start3A_220 = tpu.memref_squeeze %dma_start3A_219 : memref<1x128xi32, #tpu.memory_space<vmem>> -> memref<128xi32, #tpu.memory_space<vmem>>
    %dma_start3A_221 = arith.constant 0 : i32
    %dma_start3A_222 = tpu.memref_slice %arg6[%dma_start3A_221] : memref<100352xf32, #tpu.memory_space<vmem_shared>> -> memref<100352xf32, #tpu.memory_space<vmem_shared>>
    tpu.enqueue_indirect_dma source(%arg10 : memref<128xf32, #tpu.memory_space<vmem>>) target(%dma_start3A_222 : memref<100352xf32, #tpu.memory_space<vmem_shared>>) offsets(%dma_start3A_220 : memref<128xi32, #tpu.memory_space<vmem>>) semaphore(%arg14 : memref<!tpu.dma_semaphore, #tpu.memory_space<semaphore_mem>>) {add = true}
    %dma_start3A_223 = arith.constant 7 : i32
    %dma_start3A_224 = arith.constant 0 : i32
    %dma_start3A_225 = tpu.memref_slice %arg7[%dma_start3A_223, %dma_start3A_224] : memref<8x128xi32, #tpu.memory_space<vmem>> -> memref<1x128xi32, #tpu.memory_space<vmem>>
    %dma_start3A_226 = tpu.memref_squeeze %dma_start3A_225 : memref<1x128xi32, #tpu.memory_space<vmem>> -> memref<128xi32, #tpu.memory_space<vmem>>
    %dma_start3A_227 = arith.constant 0 : i32
    %dma_start3A_228 = tpu.memref_slice %arg6[%dma_start3A_227] : memref<100352xf32, #tpu.memory_space<vmem_shared>> -> memref<100352xf32, #tpu.memory_space<vmem_shared>>
    tpu.enqueue_indirect_dma source(%arg10 : memref<128xf32, #tpu.memory_space<vmem>>) target(%dma_start3A_228 : memref<100352xf32, #tpu.memory_space<vmem_shared>>) offsets(%dma_start3A_226 : memref<128xi32, #tpu.memory_space<vmem>>) semaphore(%arg14 : memref<!tpu.dma_semaphore, #tpu.memory_space<semaphore_mem>>) {add = true}
    %dma_wait3A = arith.constant 0 : i32
    %dma_wait3A_229 = arith.constant 0 : i32
    %dma_wait3A_230 = tpu.memref_slice %arg7[%dma_wait3A, %dma_wait3A_229] : memref<8x128xi32, #tpu.memory_space<vmem>> -> memref<1x128xi32, #tpu.memory_space<vmem>>
    %dma_wait3A_231 = tpu.memref_squeeze %dma_wait3A_230 : memref<1x128xi32, #tpu.memory_space<vmem>> -> memref<128xi32, #tpu.memory_space<vmem>>
    %dma_wait3A_232 = arith.constant 0 : i32
    %dma_wait3A_233 = tpu.memref_slice %arg6[%dma_wait3A_232] : memref<100352xf32, #tpu.memory_space<vmem_shared>> -> memref<100352xf32, #tpu.memory_space<vmem_shared>>
    tpu.wait_indirect_dma semaphore(%arg14 : memref<!tpu.dma_semaphore, #tpu.memory_space<semaphore_mem>>) src(%arg10 : memref<128xf32, #tpu.memory_space<vmem>>) dst(%dma_wait3A_233 : memref<100352xf32, #tpu.memory_space<vmem_shared>>)
    %dma_wait3A_234 = arith.constant 1 : i32
    %dma_wait3A_235 = arith.constant 0 : i32
    %dma_wait3A_236 = tpu.memref_slice %arg7[%dma_wait3A_234, %dma_wait3A_235] : memref<8x128xi32, #tpu.memory_space<vmem>> -> memref<1x128xi32, #tpu.memory_space<vmem>>
    %dma_wait3A_237 = tpu.memref_squeeze %dma_wait3A_236 : memref<1x128xi32, #tpu.memory_space<vmem>> -> memref<128xi32, #tpu.memory_space<vmem>>
    %dma_wait3A_238 = arith.constant 0 : i32
    %dma_wait3A_239 = tpu.memref_slice %arg6[%dma_wait3A_238] : memref<100352xf32, #tpu.memory_space<vmem_shared>> -> memref<100352xf32, #tpu.memory_space<vmem_shared>>
    tpu.wait_indirect_dma semaphore(%arg14 : memref<!tpu.dma_semaphore, #tpu.memory_space<semaphore_mem>>) src(%arg10 : memref<128xf32, #tpu.memory_space<vmem>>) dst(%dma_wait3A_239 : memref<100352xf32, #tpu.memory_space<vmem_shared>>)
    %dma_wait3A_240 = arith.constant 2 : i32
    %dma_wait3A_241 = arith.constant 0 : i32
    %dma_wait3A_242 = tpu.memref_slice %arg7[%dma_wait3A_240, %dma_wait3A_241] : memref<8x128xi32, #tpu.memory_space<vmem>> -> memref<1x128xi32, #tpu.memory_space<vmem>>
    %dma_wait3A_243 = tpu.memref_squeeze %dma_wait3A_242 : memref<1x128xi32, #tpu.memory_space<vmem>> -> memref<128xi32, #tpu.memory_space<vmem>>
    %dma_wait3A_244 = arith.constant 0 : i32
    %dma_wait3A_245 = tpu.memref_slice %arg6[%dma_wait3A_244] : memref<100352xf32, #tpu.memory_space<vmem_shared>> -> memref<100352xf32, #tpu.memory_space<vmem_shared>>
    tpu.wait_indirect_dma semaphore(%arg14 : memref<!tpu.dma_semaphore, #tpu.memory_space<semaphore_mem>>) src(%arg10 : memref<128xf32, #tpu.memory_space<vmem>>) dst(%dma_wait3A_245 : memref<100352xf32, #tpu.memory_space<vmem_shared>>)
    %dma_wait3A_246 = arith.constant 3 : i32
    %dma_wait3A_247 = arith.constant 0 : i32
    %dma_wait3A_248 = tpu.memref_slice %arg7[%dma_wait3A_246, %dma_wait3A_247] : memref<8x128xi32, #tpu.memory_space<vmem>> -> memref<1x128xi32, #tpu.memory_space<vmem>>
    %dma_wait3A_249 = tpu.memref_squeeze %dma_wait3A_248 : memref<1x128xi32, #tpu.memory_space<vmem>> -> memref<128xi32, #tpu.memory_space<vmem>>
    %dma_wait3A_250 = arith.constant 0 : i32
    %dma_wait3A_251 = tpu.memref_slice %arg6[%dma_wait3A_250] : memref<100352xf32, #tpu.memory_space<vmem_shared>> -> memref<100352xf32, #tpu.memory_space<vmem_shared>>
    tpu.wait_indirect_dma semaphore(%arg14 : memref<!tpu.dma_semaphore, #tpu.memory_space<semaphore_mem>>) src(%arg10 : memref<128xf32, #tpu.memory_space<vmem>>) dst(%dma_wait3A_251 : memref<100352xf32, #tpu.memory_space<vmem_shared>>)
    %dma_wait3A_252 = arith.constant 4 : i32
    %dma_wait3A_253 = arith.constant 0 : i32
    %dma_wait3A_254 = tpu.memref_slice %arg7[%dma_wait3A_252, %dma_wait3A_253] : memref<8x128xi32, #tpu.memory_space<vmem>> -> memref<1x128xi32, #tpu.memory_space<vmem>>
    %dma_wait3A_255 = tpu.memref_squeeze %dma_wait3A_254 : memref<1x128xi32, #tpu.memory_space<vmem>> -> memref<128xi32, #tpu.memory_space<vmem>>
    %dma_wait3A_256 = arith.constant 0 : i32
    %dma_wait3A_257 = tpu.memref_slice %arg6[%dma_wait3A_256] : memref<100352xf32, #tpu.memory_space<vmem_shared>> -> memref<100352xf32, #tpu.memory_space<vmem_shared>>
    tpu.wait_indirect_dma semaphore(%arg14 : memref<!tpu.dma_semaphore, #tpu.memory_space<semaphore_mem>>) src(%arg10 : memref<128xf32, #tpu.memory_space<vmem>>) dst(%dma_wait3A_257 : memref<100352xf32, #tpu.memory_space<vmem_shared>>)
    %dma_wait3A_258 = arith.constant 5 : i32
    %dma_wait3A_259 = arith.constant 0 : i32
    %dma_wait3A_260 = tpu.memref_slice %arg7[%dma_wait3A_258, %dma_wait3A_259] : memref<8x128xi32, #tpu.memory_space<vmem>> -> memref<1x128xi32, #tpu.memory_space<vmem>>
    %dma_wait3A_261 = tpu.memref_squeeze %dma_wait3A_260 : memref<1x128xi32, #tpu.memory_space<vmem>> -> memref<128xi32, #tpu.memory_space<vmem>>
    %dma_wait3A_262 = arith.constant 0 : i32
    %dma_wait3A_263 = tpu.memref_slice %arg6[%dma_wait3A_262] : memref<100352xf32, #tpu.memory_space<vmem_shared>> -> memref<100352xf32, #tpu.memory_space<vmem_shared>>
    tpu.wait_indirect_dma semaphore(%arg14 : memref<!tpu.dma_semaphore, #tpu.memory_space<semaphore_mem>>) src(%arg10 : memref<128xf32, #tpu.memory_space<vmem>>) dst(%dma_wait3A_263 : memref<100352xf32, #tpu.memory_space<vmem_shared>>)
    %dma_wait3A_264 = arith.constant 6 : i32
    %dma_wait3A_265 = arith.constant 0 : i32
    %dma_wait3A_266 = tpu.memref_slice %arg7[%dma_wait3A_264, %dma_wait3A_265] : memref<8x128xi32, #tpu.memory_space<vmem>> -> memref<1x128xi32, #tpu.memory_space<vmem>>
    %dma_wait3A_267 = tpu.memref_squeeze %dma_wait3A_266 : memref<1x128xi32, #tpu.memory_space<vmem>> -> memref<128xi32, #tpu.memory_space<vmem>>
    %dma_wait3A_268 = arith.constant 0 : i32
    %dma_wait3A_269 = tpu.memref_slice %arg6[%dma_wait3A_268] : memref<100352xf32, #tpu.memory_space<vmem_shared>> -> memref<100352xf32, #tpu.memory_space<vmem_shared>>
    tpu.wait_indirect_dma semaphore(%arg14 : memref<!tpu.dma_semaphore, #tpu.memory_space<semaphore_mem>>) src(%arg10 : memref<128xf32, #tpu.memory_space<vmem>>) dst(%dma_wait3A_269 : memref<100352xf32, #tpu.memory_space<vmem_shared>>)
    %dma_wait3A_270 = arith.constant 7 : i32
    %dma_wait3A_271 = arith.constant 0 : i32
    %dma_wait3A_272 = tpu.memref_slice %arg7[%dma_wait3A_270, %dma_wait3A_271] : memref<8x128xi32, #tpu.memory_space<vmem>> -> memref<1x128xi32, #tpu.memory_space<vmem>>
    %dma_wait3A_273 = tpu.memref_squeeze %dma_wait3A_272 : memref<1x128xi32, #tpu.memory_space<vmem>> -> memref<128xi32, #tpu.memory_space<vmem>>
    %dma_wait3A_274 = arith.constant 0 : i32
    %dma_wait3A_275 = tpu.memref_slice %arg6[%dma_wait3A_274] : memref<100352xf32, #tpu.memory_space<vmem_shared>> -> memref<100352xf32, #tpu.memory_space<vmem_shared>>
    tpu.wait_indirect_dma semaphore(%arg14 : memref<!tpu.dma_semaphore, #tpu.memory_space<semaphore_mem>>) src(%arg10 : memref<128xf32, #tpu.memory_space<vmem>>) dst(%dma_wait3A_275 : memref<100352xf32, #tpu.memory_space<vmem_shared>>)
    %barrier3A_276 = arith.constant 0 : index
    tpu.barrier barrier_id(%barrier3A_276)
    %mul3A_277 = arith.constant 4 : i32
    %mul3A_278 = arith.muli %arg0, %mul3A_277 : i32
    %add3A_279 = arith.constant 0 : i32
    %add3A_280 = arith.addi %mul3A_278, %add3A_279 : i32
    %dma_start3A_281 = arith.constant 0 : i32
    %dma_start3A_282 = tpu.memref_slice %arg8[%dma_start3A_281] : memref<512xf32, #tpu.memory_space<vmem>> -> memref<128xf32, #tpu.memory_space<vmem>>
    %dma_start3A_283 = arith.constant 0 : i32
    %dma_start3A_284 = tpu.memref_slice %arg7[%add3A_280, %dma_start3A_283] : memref<8x128xi32, #tpu.memory_space<vmem>> -> memref<1x128xi32, #tpu.memory_space<vmem>>
    %dma_start3A_285 = tpu.memref_squeeze %dma_start3A_284 : memref<1x128xi32, #tpu.memory_space<vmem>> -> memref<128xi32, #tpu.memory_space<vmem>>
    %dma_start3A_286 = arith.constant 0 : i32
    %dma_start3A_287 = tpu.memref_slice %arg6[%dma_start3A_286] : memref<100352xf32, #tpu.memory_space<vmem_shared>> -> memref<100352xf32, #tpu.memory_space<vmem_shared>>
    tpu.enqueue_indirect_dma source(%dma_start3A_287 : memref<100352xf32, #tpu.memory_space<vmem_shared>>) target(%dma_start3A_282 : memref<128xf32, #tpu.memory_space<vmem>>) offsets(%dma_start3A_285 : memref<128xi32, #tpu.memory_space<vmem>>) semaphore(%arg14 : memref<!tpu.dma_semaphore, #tpu.memory_space<semaphore_mem>>)
    %mul3A_288 = arith.constant 4 : i32
    %mul3A_289 = arith.muli %arg0, %mul3A_288 : i32
    %add3A_290 = arith.constant 1 : i32
    %add3A_291 = arith.addi %mul3A_289, %add3A_290 : i32
    %dma_start3A_292 = arith.constant 128 : i32
    %dma_start3A_293 = tpu.memref_slice %arg8[%dma_start3A_292] : memref<512xf32, #tpu.memory_space<vmem>> -> memref<128xf32, #tpu.memory_space<vmem>>
    %dma_start3A_294 = arith.constant 0 : i32
    %dma_start3A_295 = tpu.memref_slice %arg7[%add3A_291, %dma_start3A_294] : memref<8x128xi32, #tpu.memory_space<vmem>> -> memref<1x128xi32, #tpu.memory_space<vmem>>
    %dma_start3A_296 = tpu.memref_squeeze %dma_start3A_295 : memref<1x128xi32, #tpu.memory_space<vmem>> -> memref<128xi32, #tpu.memory_space<vmem>>
    %dma_start3A_297 = arith.constant 0 : i32
    %dma_start3A_298 = tpu.memref_slice %arg6[%dma_start3A_297] : memref<100352xf32, #tpu.memory_space<vmem_shared>> -> memref<100352xf32, #tpu.memory_space<vmem_shared>>
    tpu.enqueue_indirect_dma source(%dma_start3A_298 : memref<100352xf32, #tpu.memory_space<vmem_shared>>) target(%dma_start3A_293 : memref<128xf32, #tpu.memory_space<vmem>>) offsets(%dma_start3A_296 : memref<128xi32, #tpu.memory_space<vmem>>) semaphore(%arg14 : memref<!tpu.dma_semaphore, #tpu.memory_space<semaphore_mem>>)
    %mul3A_299 = arith.constant 4 : i32
    %mul3A_300 = arith.muli %arg0, %mul3A_299 : i32
    %add3A_301 = arith.constant 2 : i32
    %add3A_302 = arith.addi %mul3A_300, %add3A_301 : i32
    %dma_start3A_303 = arith.constant 256 : i32
    %dma_start3A_304 = tpu.memref_slice %arg8[%dma_start3A_303] : memref<512xf32, #tpu.memory_space<vmem>> -> memref<128xf32, #tpu.memory_space<vmem>>
    %dma_start3A_305 = arith.constant 0 : i32
    %dma_start3A_306 = tpu.memref_slice %arg7[%add3A_302, %dma_start3A_305] : memref<8x128xi32, #tpu.memory_space<vmem>> -> memref<1x128xi32, #tpu.memory_space<vmem>>
    %dma_start3A_307 = tpu.memref_squeeze %dma_start3A_306 : memref<1x128xi32, #tpu.memory_space<vmem>> -> memref<128xi32, #tpu.memory_space<vmem>>
    %dma_start3A_308 = arith.constant 0 : i32
    %dma_start3A_309 = tpu.memref_slice %arg6[%dma_start3A_308] : memref<100352xf32, #tpu.memory_space<vmem_shared>> -> memref<100352xf32, #tpu.memory_space<vmem_shared>>
    tpu.enqueue_indirect_dma source(%dma_start3A_309 : memref<100352xf32, #tpu.memory_space<vmem_shared>>) target(%dma_start3A_304 : memref<128xf32, #tpu.memory_space<vmem>>) offsets(%dma_start3A_307 : memref<128xi32, #tpu.memory_space<vmem>>) semaphore(%arg14 : memref<!tpu.dma_semaphore, #tpu.memory_space<semaphore_mem>>)
    %mul3A_310 = arith.constant 4 : i32
    %mul3A_311 = arith.muli %arg0, %mul3A_310 : i32
    %add3A_312 = arith.constant 3 : i32
    %add3A_313 = arith.addi %mul3A_311, %add3A_312 : i32
    %dma_start3A_314 = arith.constant 384 : i32
    %dma_start3A_315 = tpu.memref_slice %arg8[%dma_start3A_314] : memref<512xf32, #tpu.memory_space<vmem>> -> memref<128xf32, #tpu.memory_space<vmem>>
    %dma_start3A_316 = arith.constant 0 : i32
    %dma_start3A_317 = tpu.memref_slice %arg7[%add3A_313, %dma_start3A_316] : memref<8x128xi32, #tpu.memory_space<vmem>> -> memref<1x128xi32, #tpu.memory_space<vmem>>
    %dma_start3A_318 = tpu.memref_squeeze %dma_start3A_317 : memref<1x128xi32, #tpu.memory_space<vmem>> -> memref<128xi32, #tpu.memory_space<vmem>>
    %dma_start3A_319 = arith.constant 0 : i32
    %dma_start3A_320 = tpu.memref_slice %arg6[%dma_start3A_319] : memref<100352xf32, #tpu.memory_space<vmem_shared>> -> memref<100352xf32, #tpu.memory_space<vmem_shared>>
    tpu.enqueue_indirect_dma source(%dma_start3A_320 : memref<100352xf32, #tpu.memory_space<vmem_shared>>) target(%dma_start3A_315 : memref<128xf32, #tpu.memory_space<vmem>>) offsets(%dma_start3A_318 : memref<128xi32, #tpu.memory_space<vmem>>) semaphore(%arg14 : memref<!tpu.dma_semaphore, #tpu.memory_space<semaphore_mem>>)
    %mul3A_321 = arith.constant 4 : i32
    %mul3A_322 = arith.muli %arg0, %mul3A_321 : i32
    %add3A_323 = arith.constant 0 : i32
    %add3A_324 = arith.addi %mul3A_322, %add3A_323 : i32
    %dma_wait3A_325 = arith.constant 0 : i32
    %dma_wait3A_326 = tpu.memref_slice %arg8[%dma_wait3A_325] : memref<512xf32, #tpu.memory_space<vmem>> -> memref<128xf32, #tpu.memory_space<vmem>>
    %dma_wait3A_327 = arith.constant 0 : i32
    %dma_wait3A_328 = tpu.memref_slice %arg7[%add3A_324, %dma_wait3A_327] : memref<8x128xi32, #tpu.memory_space<vmem>> -> memref<1x128xi32, #tpu.memory_space<vmem>>
    %dma_wait3A_329 = tpu.memref_squeeze %dma_wait3A_328 : memref<1x128xi32, #tpu.memory_space<vmem>> -> memref<128xi32, #tpu.memory_space<vmem>>
    %dma_wait3A_330 = arith.constant 0 : i32
    %dma_wait3A_331 = tpu.memref_slice %arg6[%dma_wait3A_330] : memref<100352xf32, #tpu.memory_space<vmem_shared>> -> memref<100352xf32, #tpu.memory_space<vmem_shared>>
    tpu.wait_indirect_dma semaphore(%arg14 : memref<!tpu.dma_semaphore, #tpu.memory_space<semaphore_mem>>) src(%dma_wait3A_331 : memref<100352xf32, #tpu.memory_space<vmem_shared>>) dst(%dma_wait3A_326 : memref<128xf32, #tpu.memory_space<vmem>>)
    %mul3A_332 = arith.constant 4 : i32
    %mul3A_333 = arith.muli %arg0, %mul3A_332 : i32
    %add3A_334 = arith.constant 1 : i32
    %add3A_335 = arith.addi %mul3A_333, %add3A_334 : i32
    %dma_wait3A_336 = arith.constant 128 : i32
    %dma_wait3A_337 = tpu.memref_slice %arg8[%dma_wait3A_336] : memref<512xf32, #tpu.memory_space<vmem>> -> memref<128xf32, #tpu.memory_space<vmem>>
    %dma_wait3A_338 = arith.constant 0 : i32
    %dma_wait3A_339 = tpu.memref_slice %arg7[%add3A_335, %dma_wait3A_338] : memref<8x128xi32, #tpu.memory_space<vmem>> -> memref<1x128xi32, #tpu.memory_space<vmem>>
    %dma_wait3A_340 = tpu.memref_squeeze %dma_wait3A_339 : memref<1x128xi32, #tpu.memory_space<vmem>> -> memref<128xi32, #tpu.memory_space<vmem>>
    %dma_wait3A_341 = arith.constant 0 : i32
    %dma_wait3A_342 = tpu.memref_slice %arg6[%dma_wait3A_341] : memref<100352xf32, #tpu.memory_space<vmem_shared>> -> memref<100352xf32, #tpu.memory_space<vmem_shared>>
    tpu.wait_indirect_dma semaphore(%arg14 : memref<!tpu.dma_semaphore, #tpu.memory_space<semaphore_mem>>) src(%dma_wait3A_342 : memref<100352xf32, #tpu.memory_space<vmem_shared>>) dst(%dma_wait3A_337 : memref<128xf32, #tpu.memory_space<vmem>>)
    %mul3A_343 = arith.constant 4 : i32
    %mul3A_344 = arith.muli %arg0, %mul3A_343 : i32
    %add3A_345 = arith.constant 2 : i32
    %add3A_346 = arith.addi %mul3A_344, %add3A_345 : i32
    %dma_wait3A_347 = arith.constant 256 : i32
    %dma_wait3A_348 = tpu.memref_slice %arg8[%dma_wait3A_347] : memref<512xf32, #tpu.memory_space<vmem>> -> memref<128xf32, #tpu.memory_space<vmem>>
    %dma_wait3A_349 = arith.constant 0 : i32
    %dma_wait3A_350 = tpu.memref_slice %arg7[%add3A_346, %dma_wait3A_349] : memref<8x128xi32, #tpu.memory_space<vmem>> -> memref<1x128xi32, #tpu.memory_space<vmem>>
    %dma_wait3A_351 = tpu.memref_squeeze %dma_wait3A_350 : memref<1x128xi32, #tpu.memory_space<vmem>> -> memref<128xi32, #tpu.memory_space<vmem>>
    %dma_wait3A_352 = arith.constant 0 : i32
    %dma_wait3A_353 = tpu.memref_slice %arg6[%dma_wait3A_352] : memref<100352xf32, #tpu.memory_space<vmem_shared>> -> memref<100352xf32, #tpu.memory_space<vmem_shared>>
    tpu.wait_indirect_dma semaphore(%arg14 : memref<!tpu.dma_semaphore, #tpu.memory_space<semaphore_mem>>) src(%dma_wait3A_353 : memref<100352xf32, #tpu.memory_space<vmem_shared>>) dst(%dma_wait3A_348 : memref<128xf32, #tpu.memory_space<vmem>>)
    %mul3A_354 = arith.constant 4 : i32
    %mul3A_355 = arith.muli %arg0, %mul3A_354 : i32
    %add3A_356 = arith.constant 3 : i32
    %add3A_357 = arith.addi %mul3A_355, %add3A_356 : i32
    %dma_wait3A_358 = arith.constant 384 : i32
    %dma_wait3A_359 = tpu.memref_slice %arg8[%dma_wait3A_358] : memref<512xf32, #tpu.memory_space<vmem>> -> memref<128xf32, #tpu.memory_space<vmem>>
    %dma_wait3A_360 = arith.constant 0 : i32
    %dma_wait3A_361 = tpu.memref_slice %arg7[%add3A_357, %dma_wait3A_360] : memref<8x128xi32, #tpu.memory_space<vmem>> -> memref<1x128xi32, #tpu.memory_space<vmem>>
    %dma_wait3A_362 = tpu.memref_squeeze %dma_wait3A_361 : memref<1x128xi32, #tpu.memory_space<vmem>> -> memref<128xi32, #tpu.memory_space<vmem>>
    %dma_wait3A_363 = arith.constant 0 : i32
    %dma_wait3A_364 = tpu.memref_slice %arg6[%dma_wait3A_363] : memref<100352xf32, #tpu.memory_space<vmem_shared>> -> memref<100352xf32, #tpu.memory_space<vmem_shared>>
    tpu.wait_indirect_dma semaphore(%arg14 : memref<!tpu.dma_semaphore, #tpu.memory_space<semaphore_mem>>) src(%dma_wait3A_364 : memref<100352xf32, #tpu.memory_space<vmem_shared>>) dst(%dma_wait3A_359 : memref<128xf32, #tpu.memory_space<vmem>>)
    %scan3A_365 = arith.constant 0 : i32
    %scan3A_366 = arith.constant 0 : i32
    %scan3A_367 = arith.constant 32 : i32
    %scan3A_368 = arith.addi %scan3A_366, %scan3A_367 : i32
    %scan3A_369 = arith.constant 1 : i32
    %scan3A_370 = scf.for %scan3A_381 = %scan3A_366 to %scan3A_368 step %scan3A_369 iter_args(%scan3A_382 = %scan3A_365) -> (i32)  : i32 {
      %mul3A_383 = arith.constant 16 : i32
      %mul3A_384 = arith.muli %scan3A_381, %mul3A_383 : i32
      %get3A = arith.index_cast %mul3A_384 : i32 to index
      %get3A_385 = tpu.vector_load %arg8[%get3A] {strides = array<i32>} : memref<512xf32, #tpu.memory_space<vmem>>, vector<16xf32>,
      %add3A_386 = arith.constant 1.000000e+00 : f32
      %add3A_387 = vector.broadcast %add3A_386 : f32 to vector<16xf32>
      %add3A_388 = arith.addf %get3A_385, %add3A_387 : vector<16xf32>
      %div3A = arith.constant 1.000000e+00 : f32
      %div3A_389 = vector.broadcast %div3A : f32 to vector<16xf32>
      %div3A_390 = arith.divf %div3A_389, %add3A_388 : vector<16xf32>
      %mul3A_391 = arith.constant 16 : i32
      %mul3A_392 = arith.muli %scan3A_381, %mul3A_391 : i32
      %swap3A_393 = arith.index_cast %mul3A_392 : i32 to index
      %swap3A_394 = tpu.vector_load %arg8[%swap3A_393] {strides = array<i32>} : memref<512xf32, #tpu.memory_space<vmem>>, vector<16xf32>,
      tpu.vector_store %arg8[%swap3A_393], %div3A_390 {strides = array<i32>} : memref<512xf32, #tpu.memory_space<vmem>>, vector<16xf32>,
      %scan3A_395 = arith.constant 0 : i32
      scf.yield %scan3A_395 : i32
    }
    %scan3A_371 = arith.constant 32 : i32
    %broadcast_in_dim3A_372 = arith.constant 0.000000e+00 : f32
    %broadcast_in_dim3A_373 = vector.broadcast %broadcast_in_dim3A_372 : f32 to vector<16xf32>
    %scan3A_374 = arith.constant 0 : i32
    %scan3A_375 = arith.constant 32 : i32
    %scan3A_376 = arith.addi %scan3A_374, %scan3A_375 : i32
    %scan3A_377 = arith.constant 1 : i32
    %scan3A_378 = scf.for %scan3A_381 = %scan3A_374 to %scan3A_376 step %scan3A_377 iter_args(%scan3A_382 = %broadcast_in_dim3A_373) -> (vector<16xf32>)  : i32 {
      %rem3A_383 = arith.constant 6 : i32
      %rem3A_384 = arith.remsi %scan3A_381, %rem3A_383 : i32
      %mul3A_385 = arith.constant 4 : i32
      %mul3A_386 = arith.muli %arg0, %mul3A_385 : i32
      %jit3A = arith.constant 8 : i32
      %div3A = arith.divsi %scan3A_381, %jit3A : i32
      %sign3A = arith.constant 0 : i32
      %sign3A_387 = arith.cmpi sgt, %scan3A_381, %sign3A : i32
      %sign3A_388 = arith.extui %sign3A_387 : i1 to i32
      %sign3A_389 = arith.constant 0 : i32
      %sign3A_390 = arith.cmpi slt, %scan3A_381, %sign3A_389 : i32
      %sign3A_391 = arith.extui %sign3A_390 : i1 to i32
      %sign3A_392 = arith.subi %sign3A_388, %sign3A_391 : i32
      %sign3A_393 = arith.constant 0 : i32
      %sign3A_394 = arith.cmpi sgt, %jit3A, %sign3A_393 : i32
      %sign3A_395 = arith.extui %sign3A_394 : i1 to i32
      %sign3A_396 = arith.constant 0 : i32
      %sign3A_397 = arith.cmpi slt, %jit3A, %sign3A_396 : i32
      %sign3A_398 = arith.extui %sign3A_397 : i1 to i32
      %sign3A_399 = arith.subi %sign3A_395, %sign3A_398 : i32
      %ne3A = arith.cmpi ne, %sign3A_392, %sign3A_399 : i32
      %rem3A_400 = arith.remsi %scan3A_381, %jit3A : i32
      %ne3A_401 = arith.constant 0 : i32
      %ne3A_402 = arith.cmpi ne, %rem3A_400, %ne3A_401 : i32
      %and3A = arith.andi %ne3A, %ne3A_402 : i1
      %sub3A = arith.constant 1 : i32
      %sub3A_403 = arith.subi %div3A, %sub3A : i32
      %select_n3A = arith.select %and3A, %sub3A_403, %div3A : i32
      %add3A_404 = arith.addi %mul3A_386, %select_n3A : i32
      %rem3A_405 = arith.constant 8 : i32
      %rem3A_406 = arith.remsi %scan3A_381, %rem3A_405 : i32
      %mul3A_407 = arith.constant 16 : i32
      %mul3A_408 = arith.muli %rem3A_406, %mul3A_407 : i32
      %dma_wait3A_409 = arith.constant 0 : i32
      %dma_wait3A_410 = arith.constant 0 : i32
      %dma_wait3A_411 = tpu.memref_slice %arg11[%rem3A_384, %dma_wait3A_409, %dma_wait3A_410] : memref<6x16x512xf32, #tpu.memory_space<vmem>> -> memref<1x16x512xf32, #tpu.memory_space<vmem>>
      %dma_wait3A_412 = tpu.memref_squeeze %dma_wait3A_411 : memref<1x16x512xf32, #tpu.memory_space<vmem>> -> memref<16x512xf32, #tpu.memory_space<vmem>>
      %dma_wait3A_413 = tpu.memref_slice %arg7[%add3A_404, %mul3A_408] : memref<8x128xi32, #tpu.memory_space<vmem>> -> memref<1x16xi32, #tpu.memory_space<vmem>>
      %dma_wait3A_414 = tpu.memref_squeeze %dma_wait3A_413 : memref<1x16xi32, #tpu.memory_space<vmem>> -> memref<16xi32, #tpu.memory_space<vmem>>
      %dma_wait3A_415 = arith.constant 0 : i32
      %dma_wait3A_416 = arith.constant 0 : i32
      %dma_wait3A_417 = tpu.memref_slice %arg4[%dma_wait3A_415, %dma_wait3A_416] : memref<100000x512xf32, #tpu.memory_space<hbm>> -> memref<100000x512xf32, #tpu.memory_space<hbm>>
      %dma_wait3A_418 = tpu.memref_slice %arg15[%rem3A_384] : memref<6x!tpu.dma_semaphore, #tpu.memory_space<semaphore_mem>> -> memref<1x!tpu.dma_semaphore, #tpu.memory_space<semaphore_mem>>
      %dma_wait3A_419 = tpu.memref_squeeze %dma_wait3A_418 : memref<1x!tpu.dma_semaphore, #tpu.memory_space<semaphore_mem>> -> memref<!tpu.dma_semaphore, #tpu.memory_space<semaphore_mem>>
      tpu.wait_indirect_dma semaphore(%dma_wait3A_419 : memref<!tpu.dma_semaphore, #tpu.memory_space<semaphore_mem>>) src(%dma_wait3A_417 : memref<100000x512xf32, #tpu.memory_space<hbm>>) dst(%dma_wait3A_412 : memref<16x512xf32, #tpu.memory_space<vmem>>)
      %mul3A_420 = arith.constant 16 : i32
      %mul3A_421 = arith.muli %scan3A_381, %mul3A_420 : i32
      %add3A_422 = arith.addi %mul3A_2, %mul3A_421 : i32
      %dma_wait3A_423 = arith.constant 0 : i32
      %dma_wait3A_424 = arith.constant 0 : i32
      %dma_wait3A_425 = tpu.memref_slice %arg12[%rem3A_384, %dma_wait3A_423, %dma_wait3A_424] : memref<6x16x512xf32, #tpu.memory_space<vmem>> -> memref<1x16x512xf32, #tpu.memory_space<vmem>>
      %dma_wait3A_426 = tpu.memref_squeeze %dma_wait3A_425 : memref<1x16x512xf32, #tpu.memory_space<vmem>> -> memref<16x512xf32, #tpu.memory_space<vmem>>
      %dma_wait3A_427 = arith.constant 0 : i32
      %dma_wait3A_428 = tpu.memref_slice %arg2[%add3A_422, %dma_wait3A_427] : memref<16384x512xf32, #tpu.memory_space<hbm>> -> memref<16x512xf32, #tpu.memory_space<hbm>>
      %dma_wait3A_429 = tpu.memref_slice %arg16[%rem3A_384] : memref<6x!tpu.dma_semaphore, #tpu.memory_space<semaphore_mem>> -> memref<1x!tpu.dma_semaphore, #tpu.memory_space<semaphore_mem>>
      %dma_wait3A_430 = tpu.memref_squeeze %dma_wait3A_429 : memref<1x!tpu.dma_semaphore, #tpu.memory_space<semaphore_mem>> -> memref<!tpu.dma_semaphore, #tpu.memory_space<semaphore_mem>>
      %dma_wait3A_431 = arith.constant 0 : i32
      %dma_wait3A_432 = arith.constant 0 : i32
      %dma_wait3A_433 = tpu.memref_slice %arg12[%rem3A_384, %dma_wait3A_431, %dma_wait3A_432] : memref<6x16x512xf32, #tpu.memory_space<vmem>> -> memref<1x16x512xf32, #tpu.memory_space<vmem>>
      %dma_wait3A_434 = tpu.memref_squeeze %dma_wait3A_433 : memref<1x16x512xf32, #tpu.memory_space<vmem>> -> memref<16x512xf32, #tpu.memory_space<vmem>>
      %dma_wait3A_435 = arith.constant 0 : i32
      %dma_wait3A_436 = tpu.memref_slice %arg2[%add3A_422, %dma_wait3A_435] : memref<16384x512xf32, #tpu.memory_space<hbm>> -> memref<16x512xf32, #tpu.memory_space<hbm>>
      tpu.wait_dma2 semaphore(%dma_wait3A_430 : memref<!tpu.dma_semaphore, #tpu.memory_space<semaphore_mem>>) src(%dma_wait3A_436 : memref<16x512xf32, #tpu.memory_space<hbm>>) dst(%dma_wait3A_434 : memref<16x512xf32, #tpu.memory_space<vmem>>)
      %add3A_437 = arith.constant 4 : i32
      %add3A_438 = arith.addi %scan3A_381, %add3A_437 : i32
      %lt3A = arith.constant 32 : i32
      %lt3A_439 = arith.cmpi slt, %add3A_438, %lt3A : i32
      %convert_element_type3A = arith.extui %lt3A_439 : i1 to i32
      %cond3A = arith.constant 0 : i32
      %cond3A_440 = arith.cmpi ne, %convert_element_type3A, %cond3A : i32
      scf.if %cond3A_440 {
        %rem3A_447 = arith.constant 6 : i32
        %rem3A_448 = arith.remsi %add3A_438, %rem3A_447 : i32
        %mul3A_449 = arith.constant 4 : i32
        %mul3A_450 = arith.muli %arg0, %mul3A_449 : i32
        %jit3A_451 = arith.constant 8 : i32
        %div3A_452 = arith.divsi %add3A_438, %jit3A_451 : i32
        %sign3A_453 = arith.constant 0 : i32
        %sign3A_454 = arith.cmpi sgt, %add3A_438, %sign3A_453 : i32
        %sign3A_455 = arith.extui %sign3A_454 : i1 to i32
        %sign3A_456 = arith.constant 0 : i32
        %sign3A_457 = arith.cmpi slt, %add3A_438, %sign3A_456 : i32
        %sign3A_458 = arith.extui %sign3A_457 : i1 to i32
        %sign3A_459 = arith.subi %sign3A_455, %sign3A_458 : i32
        %sign3A_460 = arith.constant 0 : i32
        %sign3A_461 = arith.cmpi sgt, %jit3A_451, %sign3A_460 : i32
        %sign3A_462 = arith.extui %sign3A_461 : i1 to i32
        %sign3A_463 = arith.constant 0 : i32
        %sign3A_464 = arith.cmpi slt, %jit3A_451, %sign3A_463 : i32
        %sign3A_465 = arith.extui %sign3A_464 : i1 to i32
        %sign3A_466 = arith.subi %sign3A_462, %sign3A_465 : i32
        %ne3A_467 = arith.cmpi ne, %sign3A_459, %sign3A_466 : i32
        %rem3A_468 = arith.remsi %add3A_438, %jit3A_451 : i32
        %ne3A_469 = arith.constant 0 : i32
        %ne3A_470 = arith.cmpi ne, %rem3A_468, %ne3A_469 : i32
        %and3A_471 = arith.andi %ne3A_467, %ne3A_470 : i1
        %sub3A_472 = arith.constant 1 : i32
        %sub3A_473 = arith.subi %div3A_452, %sub3A_472 : i32
        %select_n3A_474 = arith.select %and3A_471, %sub3A_473, %div3A_452 : i32
        %add3A_475 = arith.addi %mul3A_450, %select_n3A_474 : i32
        %rem3A_476 = arith.constant 8 : i32
        %rem3A_477 = arith.remsi %add3A_438, %rem3A_476 : i32
        %mul3A_478 = arith.constant 16 : i32
        %mul3A_479 = arith.muli %rem3A_477, %mul3A_478 : i32
        %dma_start3A_480 = arith.constant 0 : i32
        %dma_start3A_481 = arith.constant 0 : i32
        %dma_start3A_482 = tpu.memref_slice %arg11[%rem3A_448, %dma_start3A_480, %dma_start3A_481] : memref<6x16x512xf32, #tpu.memory_space<vmem>> -> memref<1x16x512xf32, #tpu.memory_space<vmem>>
        %dma_start3A_483 = tpu.memref_squeeze %dma_start3A_482 : memref<1x16x512xf32, #tpu.memory_space<vmem>> -> memref<16x512xf32, #tpu.memory_space<vmem>>
        %dma_start3A_484 = tpu.memref_slice %arg7[%add3A_475, %mul3A_479] : memref<8x128xi32, #tpu.memory_space<vmem>> -> memref<1x16xi32, #tpu.memory_space<vmem>>
        %dma_start3A_485 = tpu.memref_squeeze %dma_start3A_484 : memref<1x16xi32, #tpu.memory_space<vmem>> -> memref<16xi32, #tpu.memory_space<vmem>>
        %dma_start3A_486 = arith.constant 0 : i32
        %dma_start3A_487 = arith.constant 0 : i32
        %dma_start3A_488 = tpu.memref_slice %arg4[%dma_start3A_486, %dma_start3A_487] : memref<100000x512xf32, #tpu.memory_space<hbm>> -> memref<100000x512xf32, #tpu.memory_space<hbm>>
        %dma_start3A_489 = tpu.memref_slice %arg15[%rem3A_448] : memref<6x!tpu.dma_semaphore, #tpu.memory_space<semaphore_mem>> -> memref<1x!tpu.dma_semaphore, #tpu.memory_space<semaphore_mem>>
        %dma_start3A_490 = tpu.memref_squeeze %dma_start3A_489 : memref<1x!tpu.dma_semaphore, #tpu.memory_space<semaphore_mem>> -> memref<!tpu.dma_semaphore, #tpu.memory_space<semaphore_mem>>
        tpu.enqueue_indirect_dma source(%dma_start3A_488 : memref<100000x512xf32, #tpu.memory_space<hbm>>) target(%dma_start3A_483 : memref<16x512xf32, #tpu.memory_space<vmem>>) offsets(%dma_start3A_485 : memref<16xi32, #tpu.memory_space<vmem>>) semaphore(%dma_start3A_490 : memref<!tpu.dma_semaphore, #tpu.memory_space<semaphore_mem>>)
        %mul3A_491 = arith.constant 16 : i32
        %mul3A_492 = arith.muli %add3A_438, %mul3A_491 : i32
        %add3A_493 = arith.addi %mul3A_2, %mul3A_492 : i32
        %dma_start3A_494 = arith.constant 0 : i32
        %dma_start3A_495 = arith.constant 0 : i32
        %dma_start3A_496 = tpu.memref_slice %arg12[%rem3A_448, %dma_start3A_494, %dma_start3A_495] : memref<6x16x512xf32, #tpu.memory_space<vmem>> -> memref<1x16x512xf32, #tpu.memory_space<vmem>>
        %dma_start3A_497 = tpu.memref_squeeze %dma_start3A_496 : memref<1x16x512xf32, #tpu.memory_space<vmem>> -> memref<16x512xf32, #tpu.memory_space<vmem>>
        %dma_start3A_498 = arith.constant 0 : i32
        %dma_start3A_499 = tpu.memref_slice %arg2[%add3A_493, %dma_start3A_498] : memref<16384x512xf32, #tpu.memory_space<hbm>> -> memref<16x512xf32, #tpu.memory_space<hbm>>
        %dma_start3A_500 = tpu.memref_slice %arg16[%rem3A_448] : memref<6x!tpu.dma_semaphore, #tpu.memory_space<semaphore_mem>> -> memref<1x!tpu.dma_semaphore, #tpu.memory_space<semaphore_mem>>
        %dma_start3A_501 = tpu.memref_squeeze %dma_start3A_500 : memref<1x!tpu.dma_semaphore, #tpu.memory_space<semaphore_mem>> -> memref<!tpu.dma_semaphore, #tpu.memory_space<semaphore_mem>>
        %dma_start3A_502 = arith.constant 0 : i32
        %dma_start3A_503 = arith.constant 0 : i32
        %dma_start3A_504 = tpu.memref_slice %arg12[%rem3A_448, %dma_start3A_502, %dma_start3A_503] : memref<6x16x512xf32, #tpu.memory_space<vmem>> -> memref<1x16x512xf32, #tpu.memory_space<vmem>>
        %dma_start3A_505 = tpu.memref_squeeze %dma_start3A_504 : memref<1x16x512xf32, #tpu.memory_space<vmem>> -> memref<16x512xf32, #tpu.memory_space<vmem>>
        %dma_start3A_506 = arith.constant 0 : i32
        %dma_start3A_507 = tpu.memref_slice %arg2[%add3A_493, %dma_start3A_506] : memref<16384x512xf32, #tpu.memory_space<hbm>> -> memref<16x512xf32, #tpu.memory_space<hbm>>
        tpu.enqueue_dma source(%dma_start3A_507 : memref<16x512xf32, #tpu.memory_space<hbm>>) target(%dma_start3A_505 : memref<16x512xf32, #tpu.memory_space<vmem>>) target_semaphore(%dma_start3A_501 : memref<!tpu.dma_semaphore, #tpu.memory_space<semaphore_mem>>)
      } else {
      }
      %scan3A_441 = arith.constant 0 : i32
      %scan3A_442 = arith.constant 16 : i32
      %scan3A_443 = arith.addi %scan3A_441, %scan3A_442 : i32
      %scan3A_444 = arith.constant 1 : i32
      %scan3A_445 = scf.for %scan3A_447 = %scan3A_441 to %scan3A_443 step %scan3A_444 iter_args(%scan3A_448 = %scan3A_382) -> (vector<16xf32>)  : i32 {
        %mul3A_449 = arith.constant 16 : i32
        %mul3A_450 = arith.muli %scan3A_381, %mul3A_449 : i32
        %add3A_451 = arith.addi %mul3A_450, %scan3A_447 : i32
        %broadcast_in_dim3A_452 = vector.broadcast %add3A_451 : i32 to vector<16xi32>
        %gather3A = tpu.vector_load_idx %arg8[%broadcast_in_dim3A_452] : memref<512xf32, #tpu.memory_space<vmem>>[vector<16xi32>], vector<16xf32>,
        %broadcast_in_dim3A_453 = arith.constant 0.000000e+00 : f32
        %broadcast_in_dim3A_454 = vector.broadcast %broadcast_in_dim3A_453 : f32 to vector<16xf32>
        %broadcast_in_dim3A_455 = arith.constant 0.000000e+00 : f32
        %broadcast_in_dim3A_456 = vector.broadcast %broadcast_in_dim3A_455 : f32 to vector<16xf32>
        %broadcast_in_dim3A_457 = arith.constant 0.000000e+00 : f32
        %broadcast_in_dim3A_458 = vector.broadcast %broadcast_in_dim3A_457 : f32 to vector<16xf32>
        %broadcast_in_dim3A_459 = arith.constant 0.000000e+00 : f32
        %broadcast_in_dim3A_460 = vector.broadcast %broadcast_in_dim3A_459 : f32 to vector<16xf32>
        %get3A = arith.index_cast %rem3A_384 : i32 to index
        %get3A_461 = arith.index_cast %scan3A_447 : i32 to index
        %get3A_462 = arith.constant 0 : index
        %get3A_463 = tpu.vector_load %arg12[%get3A, %get3A_461, %get3A_462] {strides = array<i32>} : memref<6x16x512xf32, #tpu.memory_space<vmem>>, vector<16xf32>,
        %get3A_464 = arith.index_cast %rem3A_384 : i32 to index
        %get3A_465 = arith.index_cast %scan3A_447 : i32 to index
        %get3A_466 = arith.constant 0 : index
        %get3A_467 = tpu.vector_load %arg11[%get3A_464, %get3A_465, %get3A_466] {strides = array<i32>} : memref<6x16x512xf32, #tpu.memory_space<vmem>>, vector<16xf32>,
        %sub3A_468 = arith.subf %get3A_463, %get3A_467 : vector<16xf32>
        %mul3A_469 = arith.mulf %sub3A_468, %sub3A_468 : vector<16xf32>
        %add3A_470 = arith.addf %broadcast_in_dim3A_454, %mul3A_469 : vector<16xf32>
        %get3A_471 = arith.index_cast %rem3A_384 : i32 to index
        %get3A_472 = arith.index_cast %scan3A_447 : i32 to index
        %get3A_473 = arith.constant 16 : index
        %get3A_474 = tpu.vector_load %arg12[%get3A_471, %get3A_472, %get3A_473] {strides = array<i32>} : memref<6x16x512xf32, #tpu.memory_space<vmem>>, vector<16xf32>,
        %get3A_475 = arith.index_cast %rem3A_384 : i32 to index
        %get3A_476 = arith.index_cast %scan3A_447 : i32 to index
        %get3A_477 = arith.constant 16 : index
        %get3A_478 = tpu.vector_load %arg11[%get3A_475, %get3A_476, %get3A_477] {strides = array<i32>} : memref<6x16x512xf32, #tpu.memory_space<vmem>>, vector<16xf32>,
        %sub3A_479 = arith.subf %get3A_474, %get3A_478 : vector<16xf32>
        %mul3A_480 = arith.mulf %sub3A_479, %sub3A_479 : vector<16xf32>
        %add3A_481 = arith.addf %broadcast_in_dim3A_456, %mul3A_480 : vector<16xf32>
        %get3A_482 = arith.index_cast %rem3A_384 : i32 to index
        %get3A_483 = arith.index_cast %scan3A_447 : i32 to index
        %get3A_484 = arith.constant 32 : index
        %get3A_485 = tpu.vector_load %arg12[%get3A_482, %get3A_483, %get3A_484] {strides = array<i32>} : memref<6x16x512xf32, #tpu.memory_space<vmem>>, vector<16xf32>,
        %get3A_486 = arith.index_cast %rem3A_384 : i32 to index
        %get3A_487 = arith.index_cast %scan3A_447 : i32 to index
        %get3A_488 = arith.constant 32 : index
        %get3A_489 = tpu.vector_load %arg11[%get3A_486, %get3A_487, %get3A_488] {strides = array<i32>} : memref<6x16x512xf32, #tpu.memory_space<vmem>>, vector<16xf32>,
        %sub3A_490 = arith.subf %get3A_485, %get3A_489 : vector<16xf32>
        %mul3A_491 = arith.mulf %sub3A_490, %sub3A_490 : vector<16xf32>
        %add3A_492 = arith.addf %broadcast_in_dim3A_458, %mul3A_491 : vector<16xf32>
        %get3A_493 = arith.index_cast %rem3A_384 : i32 to index
        %get3A_494 = arith.index_cast %scan3A_447 : i32 to index
        %get3A_495 = arith.constant 48 : index
        %get3A_496 = tpu.vector_load %arg12[%get3A_493, %get3A_494, %get3A_495] {strides = array<i32>} : memref<6x16x512xf32, #tpu.memory_space<vmem>>, vector<16xf32>,
        %get3A_497 = arith.index_cast %rem3A_384 : i32 to index
        %get3A_498 = arith.index_cast %scan3A_447 : i32 to index
        %get3A_499 = arith.constant 48 : index
        %get3A_500 = tpu.vector_load %arg11[%get3A_497, %get3A_498, %get3A_499] {strides = array<i32>} : memref<6x16x512xf32, #tpu.memory_space<vmem>>, vector<16xf32>,
        %sub3A_501 = arith.subf %get3A_496, %get3A_500 : vector<16xf32>
        %mul3A_502 = arith.mulf %sub3A_501, %sub3A_501 : vector<16xf32>
        %add3A_503 = arith.addf %broadcast_in_dim3A_460, %mul3A_502 : vector<16xf32>
        %get3A_504 = arith.index_cast %rem3A_384 : i32 to index
        %get3A_505 = arith.index_cast %scan3A_447 : i32 to index
        %get3A_506 = arith.constant 64 : index
        %get3A_507 = tpu.vector_load %arg12[%get3A_504, %get3A_505, %get3A_506] {strides = array<i32>} : memref<6x16x512xf32, #tpu.memory_space<vmem>>, vector<16xf32>,
        %get3A_508 = arith.index_cast %rem3A_384 : i32 to index
        %get3A_509 = arith.index_cast %scan3A_447 : i32 to index
        %get3A_510 = arith.constant 64 : index
        %get3A_511 = tpu.vector_load %arg11[%get3A_508, %get3A_509, %get3A_510] {strides = array<i32>} : memref<6x16x512xf32, #tpu.memory_space<vmem>>, vector<16xf32>,
        %sub3A_512 = arith.subf %get3A_507, %get3A_511 : vector<16xf32>
        %mul3A_513 = arith.mulf %sub3A_512, %sub3A_512 : vector<16xf32>
        %add3A_514 = arith.addf %add3A_470, %mul3A_513 : vector<16xf32>
        %get3A_515 = arith.index_cast %rem3A_384 : i32 to index
        %get3A_516 = arith.index_cast %scan3A_447 : i32 to index
        %get3A_517 = arith.constant 80 : index
        %get3A_518 = tpu.vector_load %arg12[%get3A_515, %get3A_516, %get3A_517] {strides = array<i32>} : memref<6x16x512xf32, #tpu.memory_space<vmem>>, vector<16xf32>,
        %get3A_519 = arith.index_cast %rem3A_384 : i32 to index
        %get3A_520 = arith.index_cast %scan3A_447 : i32 to index
        %get3A_521 = arith.constant 80 : index
        %get3A_522 = tpu.vector_load %arg11[%get3A_519, %get3A_520, %get3A_521] {strides = array<i32>} : memref<6x16x512xf32, #tpu.memory_space<vmem>>, vector<16xf32>,
        %sub3A_523 = arith.subf %get3A_518, %get3A_522 : vector<16xf32>
        %mul3A_524 = arith.mulf %sub3A_523, %sub3A_523 : vector<16xf32>
        %add3A_525 = arith.addf %add3A_481, %mul3A_524 : vector<16xf32>
        %get3A_526 = arith.index_cast %rem3A_384 : i32 to index
        %get3A_527 = arith.index_cast %scan3A_447 : i32 to index
        %get3A_528 = arith.constant 96 : index
        %get3A_529 = tpu.vector_load %arg12[%get3A_526, %get3A_527, %get3A_528] {strides = array<i32>} : memref<6x16x512xf32, #tpu.memory_space<vmem>>, vector<16xf32>,
        %get3A_530 = arith.index_cast %rem3A_384 : i32 to index
        %get3A_531 = arith.index_cast %scan3A_447 : i32 to index
        %get3A_532 = arith.constant 96 : index
        %get3A_533 = tpu.vector_load %arg11[%get3A_530, %get3A_531, %get3A_532] {strides = array<i32>} : memref<6x16x512xf32, #tpu.memory_space<vmem>>, vector<16xf32>,
        %sub3A_534 = arith.subf %get3A_529, %get3A_533 : vector<16xf32>
        %mul3A_535 = arith.mulf %sub3A_534, %sub3A_534 : vector<16xf32>
        %add3A_536 = arith.addf %add3A_492, %mul3A_535 : vector<16xf32>
        %get3A_537 = arith.index_cast %rem3A_384 : i32 to index
        %get3A_538 = arith.index_cast %scan3A_447 : i32 to index
        %get3A_539 = arith.constant 112 : index
        %get3A_540 = tpu.vector_load %arg12[%get3A_537, %get3A_538, %get3A_539] {strides = array<i32>} : memref<6x16x512xf32, #tpu.memory_space<vmem>>, vector<16xf32>,
        %get3A_541 = arith.index_cast %rem3A_384 : i32 to index
        %get3A_542 = arith.index_cast %scan3A_447 : i32 to index
        %get3A_543 = arith.constant 112 : index
        %get3A_544 = tpu.vector_load %arg11[%get3A_541, %get3A_542, %get3A_543] {strides = array<i32>} : memref<6x16x512xf32, #tpu.memory_space<vmem>>, vector<16xf32>,
        %sub3A_545 = arith.subf %get3A_540, %get3A_544 : vector<16xf32>
        %mul3A_546 = arith.mulf %sub3A_545, %sub3A_545 : vector<16xf32>
        %add3A_547 = arith.addf %add3A_503, %mul3A_546 : vector<16xf32>
        %get3A_548 = arith.index_cast %rem3A_384 : i32 to index
        %get3A_549 = arith.index_cast %scan3A_447 : i32 to index
        %get3A_550 = arith.constant 128 : index
        %get3A_551 = tpu.vector_load %arg12[%get3A_548, %get3A_549, %get3A_550] {strides = array<i32>} : memref<6x16x512xf32, #tpu.memory_space<vmem>>, vector<16xf32>,
        %get3A_552 = arith.index_cast %rem3A_384 : i32 to index
        %get3A_553 = arith.index_cast %scan3A_447 : i32 to index
        %get3A_554 = arith.constant 128 : index
        %get3A_555 = tpu.vector_load %arg11[%get3A_552, %get3A_553, %get3A_554] {strides = array<i32>} : memref<6x16x512xf32, #tpu.memory_space<vmem>>, vector<16xf32>,
        %sub3A_556 = arith.subf %get3A_551, %get3A_555 : vector<16xf32>
        %mul3A_557 = arith.mulf %sub3A_556, %sub3A_556 : vector<16xf32>
        %add3A_558 = arith.addf %add3A_514, %mul3A_557 : vector<16xf32>
        %get3A_559 = arith.index_cast %rem3A_384 : i32 to index
        %get3A_560 = arith.index_cast %scan3A_447 : i32 to index
        %get3A_561 = arith.constant 144 : index
        %get3A_562 = tpu.vector_load %arg12[%get3A_559, %get3A_560, %get3A_561] {strides = array<i32>} : memref<6x16x512xf32, #tpu.memory_space<vmem>>, vector<16xf32>,
        %get3A_563 = arith.index_cast %rem3A_384 : i32 to index
        %get3A_564 = arith.index_cast %scan3A_447 : i32 to index
        %get3A_565 = arith.constant 144 : index
        %get3A_566 = tpu.vector_load %arg11[%get3A_563, %get3A_564, %get3A_565] {strides = array<i32>} : memref<6x16x512xf32, #tpu.memory_space<vmem>>, vector<16xf32>,
        %sub3A_567 = arith.subf %get3A_562, %get3A_566 : vector<16xf32>
        %mul3A_568 = arith.mulf %sub3A_567, %sub3A_567 : vector<16xf32>
        %add3A_569 = arith.addf %add3A_525, %mul3A_568 : vector<16xf32>
        %get3A_570 = arith.index_cast %rem3A_384 : i32 to index
        %get3A_571 = arith.index_cast %scan3A_447 : i32 to index
        %get3A_572 = arith.constant 160 : index
        %get3A_573 = tpu.vector_load %arg12[%get3A_570, %get3A_571, %get3A_572] {strides = array<i32>} : memref<6x16x512xf32, #tpu.memory_space<vmem>>, vector<16xf32>,
        %get3A_574 = arith.index_cast %rem3A_384 : i32 to index
        %get3A_575 = arith.index_cast %scan3A_447 : i32 to index
        %get3A_576 = arith.constant 160 : index
        %get3A_577 = tpu.vector_load %arg11[%get3A_574, %get3A_575, %get3A_576] {strides = array<i32>} : memref<6x16x512xf32, #tpu.memory_space<vmem>>, vector<16xf32>,
        %sub3A_578 = arith.subf %get3A_573, %get3A_577 : vector<16xf32>
        %mul3A_579 = arith.mulf %sub3A_578, %sub3A_578 : vector<16xf32>
        %add3A_580 = arith.addf %add3A_536, %mul3A_579 : vector<16xf32>
        %get3A_581 = arith.index_cast %rem3A_384 : i32 to index
        %get3A_582 = arith.index_cast %scan3A_447 : i32 to index
        %get3A_583 = arith.constant 176 : index
        %get3A_584 = tpu.vector_load %arg12[%get3A_581, %get3A_582, %get3A_583] {strides = array<i32>} : memref<6x16x512xf32, #tpu.memory_space<vmem>>, vector<16xf32>,
        %get3A_585 = arith.index_cast %rem3A_384 : i32 to index
        %get3A_586 = arith.index_cast %scan3A_447 : i32 to index
        %get3A_587 = arith.constant 176 : index
        %get3A_588 = tpu.vector_load %arg11[%get3A_585, %get3A_586, %get3A_587] {strides = array<i32>} : memref<6x16x512xf32, #tpu.memory_space<vmem>>, vector<16xf32>,
        %sub3A_589 = arith.subf %get3A_584, %get3A_588 : vector<16xf32>
        %mul3A_590 = arith.mulf %sub3A_589, %sub3A_589 : vector<16xf32>
        %add3A_591 = arith.addf %add3A_547, %mul3A_590 : vector<16xf32>
        %get3A_592 = arith.index_cast %rem3A_384 : i32 to index
        %get3A_593 = arith.index_cast %scan3A_447 : i32 to index
        %get3A_594 = arith.constant 192 : index
        %get3A_595 = tpu.vector_load %arg12[%get3A_592, %get3A_593, %get3A_594] {strides = array<i32>} : memref<6x16x512xf32, #tpu.memory_space<vmem>>, vector<16xf32>,
        %get3A_596 = arith.index_cast %rem3A_384 : i32 to index
        %get3A_597 = arith.index_cast %scan3A_447 : i32 to index
        %get3A_598 = arith.constant 192 : index
        %get3A_599 = tpu.vector_load %arg11[%get3A_596, %get3A_597, %get3A_598] {strides = array<i32>} : memref<6x16x512xf32, #tpu.memory_space<vmem>>, vector<16xf32>,
        %sub3A_600 = arith.subf %get3A_595, %get3A_599 : vector<16xf32>
        %mul3A_601 = arith.mulf %sub3A_600, %sub3A_600 : vector<16xf32>
        %add3A_602 = arith.addf %add3A_558, %mul3A_601 : vector<16xf32>
        %get3A_603 = arith.index_cast %rem3A_384 : i32 to index
        %get3A_604 = arith.index_cast %scan3A_447 : i32 to index
        %get3A_605 = arith.constant 208 : index
        %get3A_606 = tpu.vector_load %arg12[%get3A_603, %get3A_604, %get3A_605] {strides = array<i32>} : memref<6x16x512xf32, #tpu.memory_space<vmem>>, vector<16xf32>,
        %get3A_607 = arith.index_cast %rem3A_384 : i32 to index
        %get3A_608 = arith.index_cast %scan3A_447 : i32 to index
        %get3A_609 = arith.constant 208 : index
        %get3A_610 = tpu.vector_load %arg11[%get3A_607, %get3A_608, %get3A_609] {strides = array<i32>} : memref<6x16x512xf32, #tpu.memory_space<vmem>>, vector<16xf32>,
        %sub3A_611 = arith.subf %get3A_606, %get3A_610 : vector<16xf32>
        %mul3A_612 = arith.mulf %sub3A_611, %sub3A_611 : vector<16xf32>
        %add3A_613 = arith.addf %add3A_569, %mul3A_612 : vector<16xf32>
        %get3A_614 = arith.index_cast %rem3A_384 : i32 to index
        %get3A_615 = arith.index_cast %scan3A_447 : i32 to index
        %get3A_616 = arith.constant 224 : index
        %get3A_617 = tpu.vector_load %arg12[%get3A_614, %get3A_615, %get3A_616] {strides = array<i32>} : memref<6x16x512xf32, #tpu.memory_space<vmem>>, vector<16xf32>,
        %get3A_618 = arith.index_cast %rem3A_384 : i32 to index
        %get3A_619 = arith.index_cast %scan3A_447 : i32 to index
        %get3A_620 = arith.constant 224 : index
        %get3A_621 = tpu.vector_load %arg11[%get3A_618, %get3A_619, %get3A_620] {strides = array<i32>} : memref<6x16x512xf32, #tpu.memory_space<vmem>>, vector<16xf32>,
        %sub3A_622 = arith.subf %get3A_617, %get3A_621 : vector<16xf32>
        %mul3A_623 = arith.mulf %sub3A_622, %sub3A_622 : vector<16xf32>
        %add3A_624 = arith.addf %add3A_580, %mul3A_623 : vector<16xf32>
        %get3A_625 = arith.index_cast %rem3A_384 : i32 to index
        %get3A_626 = arith.index_cast %scan3A_447 : i32 to index
        %get3A_627 = arith.constant 240 : index
        %get3A_628 = tpu.vector_load %arg12[%get3A_625, %get3A_626, %get3A_627] {strides = array<i32>} : memref<6x16x512xf32, #tpu.memory_space<vmem>>, vector<16xf32>,
        %get3A_629 = arith.index_cast %rem3A_384 : i32 to index
        %get3A_630 = arith.index_cast %scan3A_447 : i32 to index
        %get3A_631 = arith.constant 240 : index
        %get3A_632 = tpu.vector_load %arg11[%get3A_629, %get3A_630, %get3A_631] {strides = array<i32>} : memref<6x16x512xf32, #tpu.memory_space<vmem>>, vector<16xf32>,
        %sub3A_633 = arith.subf %get3A_628, %get3A_632 : vector<16xf32>
        %mul3A_634 = arith.mulf %sub3A_633, %sub3A_633 : vector<16xf32>
        %add3A_635 = arith.addf %add3A_591, %mul3A_634 : vector<16xf32>
        %get3A_636 = arith.index_cast %rem3A_384 : i32 to index
        %get3A_637 = arith.index_cast %scan3A_447 : i32 to index
        %get3A_638 = arith.constant 256 : index
        %get3A_639 = tpu.vector_load %arg12[%get3A_636, %get3A_637, %get3A_638] {strides = array<i32>} : memref<6x16x512xf32, #tpu.memory_space<vmem>>, vector<16xf32>,
        %get3A_640 = arith.index_cast %rem3A_384 : i32 to index
        %get3A_641 = arith.index_cast %scan3A_447 : i32 to index
        %get3A_642 = arith.constant 256 : index
        %get3A_643 = tpu.vector_load %arg11[%get3A_640, %get3A_641, %get3A_642] {strides = array<i32>} : memref<6x16x512xf32, #tpu.memory_space<vmem>>, vector<16xf32>,
        %sub3A_644 = arith.subf %get3A_639, %get3A_643 : vector<16xf32>
        %mul3A_645 = arith.mulf %sub3A_644, %sub3A_644 : vector<16xf32>
        %add3A_646 = arith.addf %add3A_602, %mul3A_645 : vector<16xf32>
        %get3A_647 = arith.index_cast %rem3A_384 : i32 to index
        %get3A_648 = arith.index_cast %scan3A_447 : i32 to index
        %get3A_649 = arith.constant 272 : index
        %get3A_650 = tpu.vector_load %arg12[%get3A_647, %get3A_648, %get3A_649] {strides = array<i32>} : memref<6x16x512xf32, #tpu.memory_space<vmem>>, vector<16xf32>,
        %get3A_651 = arith.index_cast %rem3A_384 : i32 to index
        %get3A_652 = arith.index_cast %scan3A_447 : i32 to index
        %get3A_653 = arith.constant 272 : index
        %get3A_654 = tpu.vector_load %arg11[%get3A_651, %get3A_652, %get3A_653] {strides = array<i32>} : memref<6x16x512xf32, #tpu.memory_space<vmem>>, vector<16xf32>,
        %sub3A_655 = arith.subf %get3A_650, %get3A_654 : vector<16xf32>
        %mul3A_656 = arith.mulf %sub3A_655, %sub3A_655 : vector<16xf32>
        %add3A_657 = arith.addf %add3A_613, %mul3A_656 : vector<16xf32>
        %get3A_658 = arith.index_cast %rem3A_384 : i32 to index
        %get3A_659 = arith.index_cast %scan3A_447 : i32 to index
        %get3A_660 = arith.constant 288 : index
        %get3A_661 = tpu.vector_load %arg12[%get3A_658, %get3A_659, %get3A_660] {strides = array<i32>} : memref<6x16x512xf32, #tpu.memory_space<vmem>>, vector<16xf32>,
        %get3A_662 = arith.index_cast %rem3A_384 : i32 to index
        %get3A_663 = arith.index_cast %scan3A_447 : i32 to index
        %get3A_664 = arith.constant 288 : index
        %get3A_665 = tpu.vector_load %arg11[%get3A_662, %get3A_663, %get3A_664] {strides = array<i32>} : memref<6x16x512xf32, #tpu.memory_space<vmem>>, vector<16xf32>,
        %sub3A_666 = arith.subf %get3A_661, %get3A_665 : vector<16xf32>
        %mul3A_667 = arith.mulf %sub3A_666, %sub3A_666 : vector<16xf32>
        %add3A_668 = arith.addf %add3A_624, %mul3A_667 : vector<16xf32>
        %get3A_669 = arith.index_cast %rem3A_384 : i32 to index
        %get3A_670 = arith.index_cast %scan3A_447 : i32 to index
        %get3A_671 = arith.constant 304 : index
        %get3A_672 = tpu.vector_load %arg12[%get3A_669, %get3A_670, %get3A_671] {strides = array<i32>} : memref<6x16x512xf32, #tpu.memory_space<vmem>>, vector<16xf32>,
        %get3A_673 = arith.index_cast %rem3A_384 : i32 to index
        %get3A_674 = arith.index_cast %scan3A_447 : i32 to index
        %get3A_675 = arith.constant 304 : index
        %get3A_676 = tpu.vector_load %arg11[%get3A_673, %get3A_674, %get3A_675] {strides = array<i32>} : memref<6x16x512xf32, #tpu.memory_space<vmem>>, vector<16xf32>,
        %sub3A_677 = arith.subf %get3A_672, %get3A_676 : vector<16xf32>
        %mul3A_678 = arith.mulf %sub3A_677, %sub3A_677 : vector<16xf32>
        %add3A_679 = arith.addf %add3A_635, %mul3A_678 : vector<16xf32>
        %get3A_680 = arith.index_cast %rem3A_384 : i32 to index
        %get3A_681 = arith.index_cast %scan3A_447 : i32 to index
        %get3A_682 = arith.constant 320 : index
        %get3A_683 = tpu.vector_load %arg12[%get3A_680, %get3A_681, %get3A_682] {strides = array<i32>} : memref<6x16x512xf32, #tpu.memory_space<vmem>>, vector<16xf32>,
        %get3A_684 = arith.index_cast %rem3A_384 : i32 to index
        %get3A_685 = arith.index_cast %scan3A_447 : i32 to index
        %get3A_686 = arith.constant 320 : index
        %get3A_687 = tpu.vector_load %arg11[%get3A_684, %get3A_685, %get3A_686] {strides = array<i32>} : memref<6x16x512xf32, #tpu.memory_space<vmem>>, vector<16xf32>,
        %sub3A_688 = arith.subf %get3A_683, %get3A_687 : vector<16xf32>
        %mul3A_689 = arith.mulf %sub3A_688, %sub3A_688 : vector<16xf32>
        %add3A_690 = arith.addf %add3A_646, %mul3A_689 : vector<16xf32>
        %get3A_691 = arith.index_cast %rem3A_384 : i32 to index
        %get3A_692 = arith.index_cast %scan3A_447 : i32 to index
        %get3A_693 = arith.constant 336 : index
        %get3A_694 = tpu.vector_load %arg12[%get3A_691, %get3A_692, %get3A_693] {strides = array<i32>} : memref<6x16x512xf32, #tpu.memory_space<vmem>>, vector<16xf32>,
        %get3A_695 = arith.index_cast %rem3A_384 : i32 to index
        %get3A_696 = arith.index_cast %scan3A_447 : i32 to index
        %get3A_697 = arith.constant 336 : index
        %get3A_698 = tpu.vector_load %arg11[%get3A_695, %get3A_696, %get3A_697] {strides = array<i32>} : memref<6x16x512xf32, #tpu.memory_space<vmem>>, vector<16xf32>,
        %sub3A_699 = arith.subf %get3A_694, %get3A_698 : vector<16xf32>
        %mul3A_700 = arith.mulf %sub3A_699, %sub3A_699 : vector<16xf32>
        %add3A_701 = arith.addf %add3A_657, %mul3A_700 : vector<16xf32>
        %get3A_702 = arith.index_cast %rem3A_384 : i32 to index
        %get3A_703 = arith.index_cast %scan3A_447 : i32 to index
        %get3A_704 = arith.constant 352 : index
        %get3A_705 = tpu.vector_load %arg12[%get3A_702, %get3A_703, %get3A_704] {strides = array<i32>} : memref<6x16x512xf32, #tpu.memory_space<vmem>>, vector<16xf32>,
        %get3A_706 = arith.index_cast %rem3A_384 : i32 to index
        %get3A_707 = arith.index_cast %scan3A_447 : i32 to index
        %get3A_708 = arith.constant 352 : index
        %get3A_709 = tpu.vector_load %arg11[%get3A_706, %get3A_707, %get3A_708] {strides = array<i32>} : memref<6x16x512xf32, #tpu.memory_space<vmem>>, vector<16xf32>,
        %sub3A_710 = arith.subf %get3A_705, %get3A_709 : vector<16xf32>
        %mul3A_711 = arith.mulf %sub3A_710, %sub3A_710 : vector<16xf32>
        %add3A_712 = arith.addf %add3A_668, %mul3A_711 : vector<16xf32>
        %get3A_713 = arith.index_cast %rem3A_384 : i32 to index
        %get3A_714 = arith.index_cast %scan3A_447 : i32 to index
        %get3A_715 = arith.constant 368 : index
        %get3A_716 = tpu.vector_load %arg12[%get3A_713, %get3A_714, %get3A_715] {strides = array<i32>} : memref<6x16x512xf32, #tpu.memory_space<vmem>>, vector<16xf32>,
        %get3A_717 = arith.index_cast %rem3A_384 : i32 to index
        %get3A_718 = arith.index_cast %scan3A_447 : i32 to index
        %get3A_719 = arith.constant 368 : index
        %get3A_720 = tpu.vector_load %arg11[%get3A_717, %get3A_718, %get3A_719] {strides = array<i32>} : memref<6x16x512xf32, #tpu.memory_space<vmem>>, vector<16xf32>,
        %sub3A_721 = arith.subf %get3A_716, %get3A_720 : vector<16xf32>
        %mul3A_722 = arith.mulf %sub3A_721, %sub3A_721 : vector<16xf32>
        %add3A_723 = arith.addf %add3A_679, %mul3A_722 : vector<16xf32>
        %get3A_724 = arith.index_cast %rem3A_384 : i32 to index
        %get3A_725 = arith.index_cast %scan3A_447 : i32 to index
        %get3A_726 = arith.constant 384 : index
        %get3A_727 = tpu.vector_load %arg12[%get3A_724, %get3A_725, %get3A_726] {strides = array<i32>} : memref<6x16x512xf32, #tpu.memory_space<vmem>>, vector<16xf32>,
        %get3A_728 = arith.index_cast %rem3A_384 : i32 to index
        %get3A_729 = arith.index_cast %scan3A_447 : i32 to index
        %get3A_730 = arith.constant 384 : index
        %get3A_731 = tpu.vector_load %arg11[%get3A_728, %get3A_729, %get3A_730] {strides = array<i32>} : memref<6x16x512xf32, #tpu.memory_space<vmem>>, vector<16xf32>,
        %sub3A_732 = arith.subf %get3A_727, %get3A_731 : vector<16xf32>
        %mul3A_733 = arith.mulf %sub3A_732, %sub3A_732 : vector<16xf32>
        %add3A_734 = arith.addf %add3A_690, %mul3A_733 : vector<16xf32>
        %get3A_735 = arith.index_cast %rem3A_384 : i32 to index
        %get3A_736 = arith.index_cast %scan3A_447 : i32 to index
        %get3A_737 = arith.constant 400 : index
        %get3A_738 = tpu.vector_load %arg12[%get3A_735, %get3A_736, %get3A_737] {strides = array<i32>} : memref<6x16x512xf32, #tpu.memory_space<vmem>>, vector<16xf32>,
        %get3A_739 = arith.index_cast %rem3A_384 : i32 to index
        %get3A_740 = arith.index_cast %scan3A_447 : i32 to index
        %get3A_741 = arith.constant 400 : index
        %get3A_742 = tpu.vector_load %arg11[%get3A_739, %get3A_740, %get3A_741] {strides = array<i32>} : memref<6x16x512xf32, #tpu.memory_space<vmem>>, vector<16xf32>,
        %sub3A_743 = arith.subf %get3A_738, %get3A_742 : vector<16xf32>
        %mul3A_744 = arith.mulf %sub3A_743, %sub3A_743 : vector<16xf32>
        %add3A_745 = arith.addf %add3A_701, %mul3A_744 : vector<16xf32>
        %get3A_746 = arith.index_cast %rem3A_384 : i32 to index
        %get3A_747 = arith.index_cast %scan3A_447 : i32 to index
        %get3A_748 = arith.constant 416 : index
        %get3A_749 = tpu.vector_load %arg12[%get3A_746, %get3A_747, %get3A_748] {strides = array<i32>} : memref<6x16x512xf32, #tpu.memory_space<vmem>>, vector<16xf32>,
        %get3A_750 = arith.index_cast %rem3A_384 : i32 to index
        %get3A_751 = arith.index_cast %scan3A_447 : i32 to index
        %get3A_752 = arith.constant 416 : index
        %get3A_753 = tpu.vector_load %arg11[%get3A_750, %get3A_751, %get3A_752] {strides = array<i32>} : memref<6x16x512xf32, #tpu.memory_space<vmem>>, vector<16xf32>,
        %sub3A_754 = arith.subf %get3A_749, %get3A_753 : vector<16xf32>
        %mul3A_755 = arith.mulf %sub3A_754, %sub3A_754 : vector<16xf32>
        %add3A_756 = arith.addf %add3A_712, %mul3A_755 : vector<16xf32>
        %get3A_757 = arith.index_cast %rem3A_384 : i32 to index
        %get3A_758 = arith.index_cast %scan3A_447 : i32 to index
        %get3A_759 = arith.constant 432 : index
        %get3A_760 = tpu.vector_load %arg12[%get3A_757, %get3A_758, %get3A_759] {strides = array<i32>} : memref<6x16x512xf32, #tpu.memory_space<vmem>>, vector<16xf32>,
        %get3A_761 = arith.index_cast %rem3A_384 : i32 to index
        %get3A_762 = arith.index_cast %scan3A_447 : i32 to index
        %get3A_763 = arith.constant 432 : index
        %get3A_764 = tpu.vector_load %arg11[%get3A_761, %get3A_762, %get3A_763] {strides = array<i32>} : memref<6x16x512xf32, #tpu.memory_space<vmem>>, vector<16xf32>,
        %sub3A_765 = arith.subf %get3A_760, %get3A_764 : vector<16xf32>
        %mul3A_766 = arith.mulf %sub3A_765, %sub3A_765 : vector<16xf32>
        %add3A_767 = arith.addf %add3A_723, %mul3A_766 : vector<16xf32>
        %get3A_768 = arith.index_cast %rem3A_384 : i32 to index
        %get3A_769 = arith.index_cast %scan3A_447 : i32 to index
        %get3A_770 = arith.constant 448 : index
        %get3A_771 = tpu.vector_load %arg12[%get3A_768, %get3A_769, %get3A_770] {strides = array<i32>} : memref<6x16x512xf32, #tpu.memory_space<vmem>>, vector<16xf32>,
        %get3A_772 = arith.index_cast %rem3A_384 : i32 to index
        %get3A_773 = arith.index_cast %scan3A_447 : i32 to index
        %get3A_774 = arith.constant 448 : index
        %get3A_775 = tpu.vector_load %arg11[%get3A_772, %get3A_773, %get3A_774] {strides = array<i32>} : memref<6x16x512xf32, #tpu.memory_space<vmem>>, vector<16xf32>,
        %sub3A_776 = arith.subf %get3A_771, %get3A_775 : vector<16xf32>
        %mul3A_777 = arith.mulf %sub3A_776, %sub3A_776 : vector<16xf32>
        %add3A_778 = arith.addf %add3A_734, %mul3A_777 : vector<16xf32>
        %get3A_779 = arith.index_cast %rem3A_384 : i32 to index
        %get3A_780 = arith.index_cast %scan3A_447 : i32 to index
        %get3A_781 = arith.constant 464 : index
        %get3A_782 = tpu.vector_load %arg12[%get3A_779, %get3A_780, %get3A_781] {strides = array<i32>} : memref<6x16x512xf32, #tpu.memory_space<vmem>>, vector<16xf32>,
        %get3A_783 = arith.index_cast %rem3A_384 : i32 to index
        %get3A_784 = arith.index_cast %scan3A_447 : i32 to index
        %get3A_785 = arith.constant 464 : index
        %get3A_786 = tpu.vector_load %arg11[%get3A_783, %get3A_784, %get3A_785] {strides = array<i32>} : memref<6x16x512xf32, #tpu.memory_space<vmem>>, vector<16xf32>,
        %sub3A_787 = arith.subf %get3A_782, %get3A_786 : vector<16xf32>
        %mul3A_788 = arith.mulf %sub3A_787, %sub3A_787 : vector<16xf32>
        %add3A_789 = arith.addf %add3A_745, %mul3A_788 : vector<16xf32>
        %get3A_790 = arith.index_cast %rem3A_384 : i32 to index
        %get3A_791 = arith.index_cast %scan3A_447 : i32 to index
        %get3A_792 = arith.constant 480 : index
        %get3A_793 = tpu.vector_load %arg12[%get3A_790, %get3A_791, %get3A_792] {strides = array<i32>} : memref<6x16x512xf32, #tpu.memory_space<vmem>>, vector<16xf32>,
        %get3A_794 = arith.index_cast %rem3A_384 : i32 to index
        %get3A_795 = arith.index_cast %scan3A_447 : i32 to index
        %get3A_796 = arith.constant 480 : index
        %get3A_797 = tpu.vector_load %arg11[%get3A_794, %get3A_795, %get3A_796] {strides = array<i32>} : memref<6x16x512xf32, #tpu.memory_space<vmem>>, vector<16xf32>,
        %sub3A_798 = arith.subf %get3A_793, %get3A_797 : vector<16xf32>
        %mul3A_799 = arith.mulf %sub3A_798, %sub3A_798 : vector<16xf32>
        %add3A_800 = arith.addf %add3A_756, %mul3A_799 : vector<16xf32>
        %get3A_801 = arith.index_cast %rem3A_384 : i32 to index
        %get3A_802 = arith.index_cast %scan3A_447 : i32 to index
        %get3A_803 = arith.constant 496 : index
        %get3A_804 = tpu.vector_load %arg12[%get3A_801, %get3A_802, %get3A_803] {strides = array<i32>} : memref<6x16x512xf32, #tpu.memory_space<vmem>>, vector<16xf32>,
        %get3A_805 = arith.index_cast %rem3A_384 : i32 to index
        %get3A_806 = arith.index_cast %scan3A_447 : i32 to index
        %get3A_807 = arith.constant 496 : index
        %get3A_808 = tpu.vector_load %arg11[%get3A_805, %get3A_806, %get3A_807] {strides = array<i32>} : memref<6x16x512xf32, #tpu.memory_space<vmem>>, vector<16xf32>,
        %sub3A_809 = arith.subf %get3A_804, %get3A_808 : vector<16xf32>
        %mul3A_810 = arith.mulf %sub3A_809, %sub3A_809 : vector<16xf32>
        %add3A_811 = arith.addf %add3A_767, %mul3A_810 : vector<16xf32>
        %add3A_812 = arith.addf %add3A_778, %add3A_789 : vector<16xf32>
        %add3A_813 = arith.addf %add3A_800, %add3A_811 : vector<16xf32>
        %add3A_814 = arith.addf %add3A_812, %add3A_813 : vector<16xf32>
        %mul3A_815 = arith.mulf %add3A_814, %gather3A : vector<16xf32>
        %add3A_816 = arith.addf %scan3A_448, %mul3A_815 : vector<16xf32>
        scf.yield %add3A_816 : vector<16xf32>
      }
      %scan3A_446 = arith.constant 16 : i32
      scf.yield %scan3A_445 : vector<16xf32>
    }
    %scan3A_379 = arith.constant 32 : i32
    %swap3A = arith.constant 0 : index
    %swap3A_380 = tpu.vector_load %arg13[%swap3A] {strides = array<i32>} : memref<16xf32, #tpu.memory_space<vmem>>, vector<16xf32>,
    tpu.vector_store %arg13[%swap3A], %scan3A_378 {strides = array<i32>} : memref<16xf32, #tpu.memory_space<vmem>>, vector<16xf32>,
    "tpu.region"() ({
      %run_scoped3A = tpu.sem_alloc : memref<!tpu.dma_semaphore, #tpu.memory_space<semaphore_mem>>
      %dma_start3A_381 = arith.constant 0 : i32
      %dma_start3A_382 = tpu.memref_slice %arg5[%add3A, %dma_start3A_381] : memref<32x16xf32, #tpu.memory_space<hbm>> -> memref<1x16xf32, #tpu.memory_space<hbm>>
      %dma_start3A_383 = tpu.memref_squeeze %dma_start3A_382 : memref<1x16xf32, #tpu.memory_space<hbm>> -> memref<16xf32, #tpu.memory_space<hbm>>
      %dma_start3A_384 = arith.constant 0 : i32
      %dma_start3A_385 = tpu.memref_slice %arg5[%add3A, %dma_start3A_384] : memref<32x16xf32, #tpu.memory_space<hbm>> -> memref<1x16xf32, #tpu.memory_space<hbm>>
      %dma_start3A_386 = tpu.memref_squeeze %dma_start3A_385 : memref<1x16xf32, #tpu.memory_space<hbm>> -> memref<16xf32, #tpu.memory_space<hbm>>
      tpu.enqueue_dma source(%arg13 : memref<16xf32, #tpu.memory_space<vmem>>) target(%dma_start3A_386 : memref<16xf32, #tpu.memory_space<hbm>>) target_semaphore(%run_scoped3A : memref<!tpu.dma_semaphore, #tpu.memory_space<semaphore_mem>>)
      %dma_wait3A_387 = arith.constant 0 : i32
      %dma_wait3A_388 = tpu.memref_slice %arg5[%add3A, %dma_wait3A_387] : memref<32x16xf32, #tpu.memory_space<hbm>> -> memref<1x16xf32, #tpu.memory_space<hbm>>
      %dma_wait3A_389 = tpu.memref_squeeze %dma_wait3A_388 : memref<1x16xf32, #tpu.memory_space<hbm>> -> memref<16xf32, #tpu.memory_space<hbm>>
      %dma_wait3A_390 = arith.constant 0 : i32
      %dma_wait3A_391 = tpu.memref_slice %arg5[%add3A, %dma_wait3A_390] : memref<32x16xf32, #tpu.memory_space<hbm>> -> memref<1x16xf32, #tpu.memory_space<hbm>>
      %dma_wait3A_392 = tpu.memref_squeeze %dma_wait3A_391 : memref<1x16xf32, #tpu.memory_space<hbm>> -> memref<16xf32, #tpu.memory_space<hbm>>
      tpu.wait_dma2 semaphore(%run_scoped3A : memref<!tpu.dma_semaphore, #tpu.memory_space<semaphore_mem>>) src(%arg13 : memref<16xf32, #tpu.memory_space<vmem>>) dst(%dma_wait3A_392 : memref<16xf32, #tpu.memory_space<hbm>>)
      tpu.yield
    }) : () -> ()
    return
  }
}

</mosaic_0001>

<sc_bundles>
// kernel: _sc_center_loss.3.cloned.1.call-start
scs
__scs_entry_jumppad:
0x0: {  	(pc) =	sbr.rel $0x88, $3  }
0x1: {  	(tag) =	ssettag $0x0;
	lr =	simm.s32 $0x1  }
0x2: {  	[smem:$0x3F9E] =	sst lr;
	_ =	strace $0xD0000000  }
0x3: {  	_ = 	snop  }
0x4: {  	_ = 	snop  }
0x5: {  	_ = 	snop  }
0x6: {  	_ = 	snop  }
0x7: {  	_ = 	snop  }
__scs_overlays_trampoline_lowered:
0x8: {  	[smem:$0x3FAD] =	sst s0  }
0x9: {  	[smem:$0x3FAE] =	sst s1  }
0xa: {  	[smem:$0x3FAF] =	sst s2  }
0xb: {  	[smem:$0x3FB0] =	sst s3  }
0xc: {  	[smem:$0x3FB1] =	sst s4  }
0xd: {  	[smem:$0x3FB2] =	sst s5  }
0xe: {  	[smem:$0x3FB3] =	sst s6  }
0xf: {  	[smem:$0x3FB4] =	sst s7  }
0x10: {  	[smem:$0x3FB5] =	sst s8  }
0x11: {  	[smem:$0x3FB6] =	sst s9;
	s0 =	simm.s32 @!p0 $0x0  }
0x12: {  	s1 =	sld [smem:$0x3F9C];
	s0 =	simm.s32 @p0 $0x1  }
0x13: {  	[smem:$0x3FB7] =	sst s0;
	s0 =	simm.s32 @!p1 $0x0  }
0x14: {  	s2 =	sld [smem:$0x3F9B];
	s0 =	simm.s32 @p1 $0x1  }
0x15: {  	[smem:$0x3FB8] =	sst s0;
	s0 =	simm.s32 @!p2 $0x0  }
0x16: {  	s3 =	sld [smem:$0x3FDB];
	s0 =	simm.s32 @p2 $0x1  }
0x17: {  	s4 =	simm.s32 $0x1BF5;
	[smem:$0x3FBA] =	sst s0  }
0x18: {  	s0 =	sld [smem:$0x3F9D];
	_ =	swait.ge [sflag:s4], $0x0  }
0x19: {  	s7 =	sld [smem:$0x3F9E]  }
0x1a: {  	s8 =	sadd.s32 $0xFFFFE003, lr  }
0x1b: {  	s9 =	sadd.s32 $0xFFFFFEF7, lr;
	s5 =	simm.s32 $0xFFFFFFFF;
	p2 =	slt.u32 s8, $0xFFFFF086  }
0x1c: {  	p1 =	slt.u32 s9, $0xF7A;
	s5 =	simm.s32 @!p2 $0x0  }
0x1d: {  	s5 =	simm.s32 @p1 $0x1;
	p0 =	seq.s32 s7, s2  }
0x1e: {  	s7 =	smul.u32 @!p0 $0xF7A, s2;
	p2 =	seq.s32 @!p0 s5, $0x0  }
0x1f: {  	s9 =	smul.u32 $0xF7A, s1;
	s8 =	simm.s32 @!p0 $0x1BF5;
	p2 =	por !p2, p0  }
0x20: {  	[sflag:s8] =	ssyncset.s32 @!p0 $0xFFFFF086;
	s6 =	sadd.s32 @!p0 s3, s7;
	s7 =	simm.s32 @!p0 $0x108  }
0x21: {  	s3 =	sadd.s32 s3, s9;
	s6 =	sadd.s32 @!p0 $0x88, s6;
	s7 =	simm.s32 @p2 $0x1082  }
0x22: {  	[simem:s7], [sflag:s8] =	dma.local @!p0 [hbm:s6], $0xF7A  }
0x23: {  	s9 =	sor.u32 $0xD0000000, s2;
	s6 =	simm.s32 $0x108;
	_ =	swait.ge @!p0 [sflag:s8], $0x0  }
0x24: {  	s3 =	sadd.s32 $0x88, s3;
	s6 =	simm.s32 @!p1 $0x1082;
	[sflag:s4] =	ssyncset.s32 $0xFFFFF086  }
0x25: {  	[simem:s6], [sflag:s4] =	dma.local [hbm:s3], $0xF7A  }
0x26: {  	[smem:$0x3F9E] =	sst s1;
	(tag) =	ssettag s2;
	_ =	strace s9  }
0x27: {  	s1 =	sld [smem:$0x3FAE]  }
0x28: {  	s2 =	sld [smem:$0x3FAF]  }
0x29: {  	s4 =	sld [smem:$0x3FB1]  }
0x2a: {  	p0 =	seq.s32 s5, $0x0;
	s5 =	sld [smem:$0x3FB2]  }
0x2b: {  	s6 =	sld [smem:$0x3FB3]  }
0x2c: {  	s7 =	sld [smem:$0x3FB4]  }
0x2d: {  	s3 =	simm.s32 $0x108;
	s8 =	sld [smem:$0x3FB5]  }
0x2e: {  	s3 =	simm.s32 @!p0 $0x1082;
	s9 =	sld [smem:$0x3FB6]  }
0x2f: {  	lr =	sadd.s32 s0, s3;
	s0 =	sld [smem:$0x3FAD]  }
0x30: {  	s3 =	sld [smem:$0x3FB0]  }
0x31: {  	[smem:$0x3FB9] =	sst s10  }
0x32: {  	s10 =	sld [smem:$0x3FB7];
	_ =	sdelay $0x3  }
0x33: {  	p0 =	seq.s32 s10, $0x1;
	s10 =	sld [smem:$0x3FB9];
	_ =	sdelay $0x3  }
0x34: {  	[smem:$0x3FB9] =	sst s10  }
0x35: {  	s10 =	sld [smem:$0x3FB8];
	_ =	sdelay $0x3  }
0x36: {  	p1 =	seq.s32 s10, $0x1;
	s10 =	sld [smem:$0x3FB9];
	_ =	sdelay $0x3  }
0x37: {  	[smem:$0x3FB9] =	sst s10  }
0x38: {  	s10 =	sld [smem:$0x3FBA]  }
0x39: {  	_ = 	snop;
	(pc) =	sbr.ind lr, $3  }
0x3a: {  	_ = 	snop  }
0x3b: {  	_ = 	snop  }
0x3c: {  	p2 =	seq.s32 s10, $0x1;
	s10 =	sld [smem:$0x3FB9]  }
0x3d: {  	_ =	shalt  }
0x3e: {  	_ =	shalt  }
0x3f: {  	_ =	shalt  }
0x40: {  	_ =	shalt  }
0x41: {  	_ =	shalt  }
0x42: {  	_ =	shalt  }
0x43: {  	_ =	shalt  }
0x44: {  	_ =	shalt  }
0x45: {  	_ =	shalt  }
0x46: {  	_ =	shalt  }
0x47: {  	_ =	shalt  }
0x48: {  	_ =	shalt  }
0x49: {  	_ =	shalt  }
0x4a: {  	_ =	shalt  }
0x4b: {  	_ =	shalt  }
0x4c: {  	_ =	shalt  }
0x4d: {  	_ =	shalt  }
0x4e: {  	_ =	shalt  }
0x4f: {  	_ =	shalt  }
0x50: {  	_ =	shalt  }
0x51: {  	_ =	shalt  }
0x52: {  	_ =	shalt  }
0x53: {  	_ =	shalt  }
0x54: {  	_ =	shalt  }
0x55: {  	_ =	shalt  }
0x56: {  	_ =	shalt  }
0x57: {  	_ =	shalt  }
0x58: {  	_ =	shalt  }
0x59: {  	_ =	shalt  }
0x5a: {  	_ =	shalt  }
0x5b: {  	_ =	shalt  }
0x5c: {  	_ =	shalt  }
0x5d: {  	_ =	shalt  }
0x5e: {  	_ =	shalt  }
0x5f: {  	_ =	shalt  }
0x60: {  	_ =	shalt  }
0x61: {  	_ =	shalt  }
0x62: {  	_ =	shalt  }
0x63: {  	_ =	shalt  }
0x64: {  	_ =	shalt  }
0x65: {  	_ =	shalt  }
0x66: {  	_ =	shalt  }
0x67: {  	_ =	shalt  }
0x68: {  	_ =	shalt  }
0x69: {  	_ =	shalt  }
0x6a: {  	_ =	shalt  }
0x6b: {  	_ =	shalt  }
0x6c: {  	_ =	shalt  }
0x6d: {  	_ =	shalt  }
0x6e: {  	_ =	shalt  }
0x6f: {  	_ =	shalt  }
0x70: {  	_ =	shalt  }
0x71: {  	_ =	shalt  }
0x72: {  	_ =	shalt  }
0x73: {  	_ =	shalt  }
0x74: {  	_ =	shalt  }
0x75: {  	_ =	shalt  }
0x76: {  	_ =	shalt  }
0x77: {  	_ =	shalt  }
0x78: {  	_ =	shalt  }
0x79: {  	_ =	shalt  }
0x7a: {  	_ =	shalt  }
0x7b: {  	_ =	shalt  }
0x7c: {  	_ =	shalt  }
0x7d: {  	_ =	shalt  }
0x7e: {  	_ =	shalt  }
0x7f: {  	_ =	shalt  }
0x80: {  	_ =	shalt  }
0x81: {  	_ =	shalt  }
0x82: {  	_ =	shalt  }
0x83: {  	_ =	shalt  }
0x84: {  	_ =	shalt  }
0x85: {  	_ =	shalt  }
0x86: {  	_ =	shalt  }
0x87: {  	_ =	shalt  }
.Lfunc_end0:
.L_simem_size_0:
called_computation_lowered:
.L_overlay_start_0:
0x88: {  	s2 =	sld [smem:$0x3FD9]  }
0x89: {  	s3 =	sld [smem:$0x3FFE];
	_ =	sdelay $0x1  }
0x8a: {  	s1 =	srdreg.scid  }
0x8b: {  	s0 =	sand.u32 $0x1, s1  }
0x8c: {  	s17 =	sshll.u32 s0, $0xA;
	s2 =	sadd.s32 s3, s2  }
0x8d: {  	s2 =	sadd.s32 s2, s17  }
0x8e: {  	[smem:$0x3FC5] =	sst s2  }
0x8f: {  	_ = 	snop  }
0x90: {  	s2 =	sld [smem:$0x3FC9]  }
0x91: {  	s18 =	sld [smem:$0x3FC8]  }
0x92: {  	s4 =	sld [smem:$0x3FC7];
	(tm) =	ssettm $0x1  }
0x93: {  	s5 =	sld [smem:$0x3FFB];
	_ =	sdelay $0x3  }
0x94: {  	_ =	strace s5  }
0x95: {  	s5 =	sld [smem:$0x3FFC];
	_ =	sdelay $0x3  }
0x96: {  	_ =	strace s5  }
0x97: {  	s5 =	sld [smem:$0x3FFD];
	_ =	sdelay $0x3  }
0x98: {  	_ =	strace s5  }
0x99: {  	_ =	strace $0x8FFFFFFF  }
0x9a: {  	s19 =	sld [smem:$0x3FDB];
	_ =	sdelay $0x1  }
0x9b: {  	s6 =	simm.s32 $_scs_section_size  }
0x9c: {  	s7 =	simm.s32 $_size__tile_overlayer_lowered;
	s8 =	simm.s32 $_tile_overlayer_lowered  }
0x9d: {  	s22 =	simm.s32 $0x1BFF;
	s21 =	sshll.u32 s8, $0x1;
	s5 =	sadd.s32 s6, s19  }
0x9e: {  	s9 =	simm.s32 $0x0;
	s20 =	sshll.u32 s7, $0x1;
	s7 =	sadd.s32 s21, s5  }
0x9f: {  	[timem:s9], [sflag:s22] =	dma.local [hbm:s7], s20  }
0xa0: {  	_ =	swait.ge [sflag:s22], s20  }
0xa1: {  	s6 =	ssub.s32 $0x0, s20;
	[sflag:s22] =	ssyncset.done $0x0  }
0xa2: {  	[sflag:s22] =	ssyncadd.s32 s6;
	_ =	sdelay $0x1  }
0xa3: {  	s23 =	simm.s32 $0x1B8B  }
0xa4: {  	_ =	swait.ge [sflag:s23], $0x1  }
0xa5: {  	[sflag:s23] =	ssyncset.done $0x0  }
0xa6: {  	s25 =	simm.s32 $0x1B8E;
	s24 =	sld [smem:$0x3FFE];
	[sflag:s23] =	ssyncadd.s32 $0xFFFFFFFF  }
0xa7: {  	s26 =	simm.s32 $execute0_lowered;
	[smem:$0x3FD2] =	sst s25  }
0xa8: {  	s7 =	sshll.u32 s26, $0x1;
	_ =	strace $0x80000046;
	[dreg:$0x1] =	wrdreg $0xFFFFFFFF  }
0xa9: {  	s28 =	simm.s32 $_size_execute0_lowered;
	s5 =	sadd.s32 s5, s7;
	[dreg:$0x0] =	wrdreg $0x0  }
0xaa: {  	s7 =	sshll.u32 s28, $0x1;
	[dreg:$0x2] =	wrdreg s5  }
0xab: {  	[dreg:$0x3] =	wrdreg s7  }
0xac: {  	[dreg:$0x4] =	wrdreg $0xC0  }
0xad: {  	_ =	task [dreg:s9], $0x5FFFF  }
0xae: {  	[dreg:$0x1] =	wrdreg $0xFFFFFFFF  }
0xaf: {  	[dreg:$0x0] =	wrdreg $0x60  }
0xb0: {  	[dreg:$0x2] =	wrdreg s2  }
0xb1: {  	[dreg:$0x3] =	wrdreg s18  }
0xb2: {  	[dreg:$0x4] =	wrdreg s4  }
0xb3: {  	[dreg:$0x5] =	wrdreg s24  }
0xb4: {  	[dreg:$0x6] =	wrdreg $0x0  }
0xb5: {  	[dreg:$0x7] =	wrdreg $0x9  }
0xb6: {  	_ =	task.clear_ibuf [dreg:s9], $0x8FFFF;
	_ =	strace $0x90000046  }
0xb7: {  	s29 =	simm.s32 $0x9;
	_ =	strace $0x80000048  }
0xb8: {  	_ =	swait.ge [sflag:s29], $0x1  }
0xb9: {  	[sflag:s29] =	ssyncadd.s32 $0xFFFFFFFF  }
0xba: {  	_ =	strace $0x90000048  }
0xbb: {  	_ =	sfence  }
0xbc: {  	s30 =	sld [smem:$0x0];
	_ =	sdelay $0x2  }
0xbd: {  	s31 =	sshll.u32 s1, $0xD;
	s1 =	sshrl.u32 s1, $0x2  }
0xbe: {  	s3 =	sand.u32 $0x4000, s31;
	s1 =	sadd.s32 s1, s30  }
0xbf: {  	s0 =	sor.u32 s3, s0;
	s1 =	sshll.u32 s1, $0x11  }
0xc0: {  	s0 =	sor.u32 s1, s0  }
0xc1: {  	s0 =	sadd.s32 $0x8F2B, s0  }
0xc2: {  	[sflag:s0] =	ssyncadd.remote.s32 $0x1  }
0xc3: {  	_ =	sfence.sel $0xFFFF  }
0xc4: {  	[dreg:$0x0] =	wrdreg $0xFFFFFFFF;
	(pc) =	sbr.abs _section_cstart, $3  }
0xc5: {  	[dreg:$0x1] =	wrdreg $0xFFFFFFFF  }
0xc6: {  	_ =	task.clear_ibuf [dreg:s9], $0x2FFFF;
	_ =	strace $0x9FFFFFFF  }
0xc7: {  	(tm) =	ssettm $0x7FFFFFFF  }
tec
execute0_lowered:
.L_overlay_start_1:
0x0: {  	(tag) =	ssettag $0x1  }
0x1: {  	s0 =	rddreg [dreg:$0x0]  }
0x2: {  	s2 =	rddreg [dreg:$0x1]  }
0x3: {  	s1 =	rddreg [dreg:$0x2]  }
0x4: {  	s5 =	rddreg [dreg:$0x3]  }
0x5: {  	s3 =	rddreg [dreg:$0x4]  }
0x6: {  	s6 =	srdreg.scid;
	s10 =	stileid.u32;
	s4 =	simm.s32 $0x0  }
0x7: {  	s20 =	simm.s32 $0xE;
	s31 =	simm.s32 $0x80;
	s28 =	simm.s32 $0x1  }
0x8: {  	s29 =	simm.s32 $0x1C80;
	s23 =	simm.s32 $0x0;
	s6 =	sand.u32 $0x1, s6  }
0x9: {  	s7 =	sshll.u32 s10, $0x1;
	[smem:$0x7FF] =	sst s4;
	s26 =	sshll.u32 s10, $0x7  }
0xa: {  	s30 =	smul.u32 $0x6200, s10;
	s7 =	sor.u32 s6, s7;
	_ =	strace $0x80000047  }
0xb: {  	s9 =	ssub.s32 $0x2, s6;
	s2 =	sadd.s32 s2, s26;
	s6 =	sshll.u32 s6, $0x9  }
0xc: {  	s8 =	sshll.u32 s7, $0x4;
	s25 =	sshrl.u32 s9, $0x1;
	s7 =	sshll.u32 s7, $0xF  }
0xd: {  	[dreg:$0x6] =	wrdreg s2;
	s14 =	sor.u32 $0x1900, s6;
	s15 =	sor.u32 $0x1980, s6  }
0xe: {  	s16 =	sadd.s32 $0x1A00, s6;
	s17 =	sadd.s32 s8, s5;
	s18 =	ssub.s32 s9, s25  }
0xf: {  	s7 =	sadd.s32 s0, s7;
	s8 =	sor.u32 $0x1880, s6;
	s9 =	sadd.s32 $0x100, s1  }
0x10: {  	v2 =	vlaneseq.u32;
	vm0 =	vmmov $0xffff;
	s0 =	sshrl.u32 s30, $0x2;
	s5 =	simm.s32 $0x1880;
	s10 =	sadd.s32 $0x400, s7  }
0x11: {  	v3 =	vimm.f32 $0.0e+00;
	v4 =	vimm.f32 $1.000000000e+00;
	v1 =	vshrl.u32 v2, $0x3;
	s11 =	sadd.s32 $0x800, s7;
	s12 =	sadd.s32 $0xC00, s7;
	s13 =	sadd.s32 s0, s3  }
0x12: {  	v0 =	vand.u32 $0x7, v2;
	v2 =	vor.u32 $0x8, v2;
	v1 =	vmul.u32 $0x8, v1;
	s17 =	sadd.s32 $0x400, s17;
	s18 =	smax.u32 s18, $0x1;
	s0 =	simm.s32 $0x3700  }
.LBB2_1:
0x13: {  	s2 =	rddreg [dreg:$0x6]  }
0x14: {  	[tilespmem:s5], [sflag:$0xE] =	stream.linear.gather [hbm4b:s2+s4], $0x400, $0x38;
	[tilespmem:$0x1B800] =	vst v63  }
0x15: {  	_ =	swait.ge [sflag:s20], $0x400  }
0x16: {  	[sflag:s20] =	ssyncset.done $0x0  }
0x17: {  	[sflag:s20] =	ssyncadd.s32 $0xFFFFFC00  }
0x18: {  	v5 =	vld [tilespmem:s6+$0x1880];
	_ =	sdelay $0x4  }
0x19: {  	v6 =	vshll.u32 v5, $0x2  }
0x1a: {  	v5 =	vand.u32 $0x7, v5;
	v6 =	vand.u32 $0xFFFFFFE0, v6  }
0x1b: {  	v5 =	vor.u32 v5, v6  }
0x1c: {  	v6 =	vperm.xlane v5, v0;
	_ =	sdelay $0x1  }
0x1d: {  	v6 =	vadd.s32 v1, v6;
	_ =	sdelay $0x1  }
0x1e: {  	v5 =	vperm.xlane v5, v2;
	_ =	sdelay $0x1  }
0x1f: {  	s21 =	simm.s32 $0x3780;
	v5 =	vadd.s32 v1, v5  }
0x20: {  	[tilespmem:s21], [sflag:$0x2] =	stream.indirect_vreg.gather [hbm4b:s1+s4], $0x80, v6, vm0, $0xb8;
	[tilespmem:$0x1B800] =	vst v63  }
0x21: {  	s22 =	simm.s32 $0x3F80  }
0x22: {  	[tilespmem:s22], [sflag:$0x2] =	stream.indirect_vreg.gather [hbm4b:s9+s4], $0x80, v6, vm0, $0xb8;
	[tilespmem:$0x1B800] =	vst v63  }
0x23: {  	s24 =	simm.s32 $0x4780  }
0x24: {  	[tilespmem:s24], [sflag:$0x2] =	stream.indirect_vreg.gather [hbm4b:s1+s4], $0x80, v5, vm0, $0xb8;
	[tilespmem:$0x1B800] =	vst v63  }
0x25: {  	s25 =	simm.s32 $0x4F80  }
0x26: {  	[tilespmem:s25], [sflag:$0x2] =	stream.indirect_vreg.gather [hbm4b:s9+s4], $0x80, v5, vm0, $0xb8;
	[tilespmem:$0x1B800] =	vst v63  }
0x27: {  	s26 =	simm.s32 $0xF780  }
0x28: {  	[tilespmem:s26], [sflag:$0x8] =	stream.linear.gather [hbm4b:s7+s4], $0x2000, $0x38;
	[tilespmem:$0x1B800] =	vst v63  }
0x29: {  	v5 =	vld [tilespmem:s6+$0x1890];
	_ =	sdelay $0x4  }
0x2a: {  	v6 =	vshll.u32 v5, $0x2  }
0x2b: {  	v5 =	vand.u32 $0x7, v5;
	v6 =	vand.u32 $0xFFFFFFE0, v6  }
0x2c: {  	v5 =	vor.u32 v5, v6  }
0x2d: {  	v6 =	vperm.xlane v5, v0;
	_ =	sdelay $0x1  }
0x2e: {  	v6 =	vadd.s32 v1, v6;
	_ =	sdelay $0x1  }
0x2f: {  	v5 =	vperm.xlane v5, v2;
	_ =	sdelay $0x1  }
0x30: {  	s30 =	simm.s32 $0x5780;
	v5 =	vadd.s32 v1, v5  }
0x31: {  	[tilespmem:s30], [sflag:$0x3] =	stream.indirect_vreg.gather [hbm4b:s1+s4], $0x80, v6, vm0, $0xb8;
	[tilespmem:$0x1B800] =	vst v63  }
0x32: {  	s19 =	simm.s32 $0x5F80  }
0x33: {  	[tilespmem:s19], [sflag:$0x3] =	stream.indirect_vreg.gather [hbm4b:s9+s4], $0x80, v6, vm0, $0xb8;
	[tilespmem:$0x1B800] =	vst v63  }
0x34: {  	s21 =	simm.s32 $0x6780  }
0x35: {  	[tilespmem:s21], [sflag:$0x3] =	stream.indirect_vreg.gather [hbm4b:s1+s4], $0x80, v5, vm0, $0xb8;
	[tilespmem:$0x1B800] =	vst v63  }
0x36: {  	s22 =	simm.s32 $0x6F80  }
0x37: {  	[tilespmem:s22], [sflag:$0x3] =	stream.indirect_vreg.gather [hbm4b:s9+s4], $0x80, v5, vm0, $0xb8;
	[tilespmem:$0x1B800] =	vst v63  }
0x38: {  	s24 =	simm.s32 $0x11780  }
0x39: {  	[tilespmem:s24], [sflag:$0x9] =	stream.linear.gather [hbm4b:s10+s4], $0x2000, $0x38;
	[tilespmem:$0x1B800] =	vst v63  }
0x3a: {  	v5 =	vld [tilespmem:s6+$0x18A0];
	_ =	sdelay $0x4  }
0x3b: {  	v6 =	vshll.u32 v5, $0x2  }
0x3c: {  	v5 =	vand.u32 $0x7, v5;
	v6 =	vand.u32 $0xFFFFFFE0, v6  }
0x3d: {  	v5 =	vor.u32 v5, v6  }
0x3e: {  	v6 =	vperm.xlane v5, v0;
	_ =	sdelay $0x1  }
0x3f: {  	v6 =	vadd.s32 v1, v6;
	_ =	sdelay $0x1  }
0x40: {  	v5 =	vperm.xlane v5, v2;
	_ =	sdelay $0x1  }
0x41: {  	s25 =	simm.s32 $0x7780;
	v5 =	vadd.s32 v1, v5  }
0x42: {  	[tilespmem:s25], [sflag:$0x4] =	stream.indirect_vreg.gather [hbm4b:s1+s4], $0x80, v6, vm0, $0xb8;
	[tilespmem:$0x1B800] =	vst v63  }
0x43: {  	s26 =	simm.s32 $0x7F80  }
0x44: {  	[tilespmem:s26], [sflag:$0x4] =	stream.indirect_vreg.gather [hbm4b:s9+s4], $0x80, v6, vm0, $0xb8;
	[tilespmem:$0x1B800] =	vst v63  }
0x45: {  	s30 =	simm.s32 $0x8780  }
0x46: {  	[tilespmem:s30], [sflag:$0x4] =	stream.indirect_vreg.gather [hbm4b:s1+s4], $0x80, v5, vm0, $0xb8;
	[tilespmem:$0x1B800] =	vst v63  }
0x47: {  	s19 =	simm.s32 $0x8F80  }
0x48: {  	[tilespmem:s19], [sflag:$0x4] =	stream.indirect_vreg.gather [hbm4b:s9+s4], $0x80, v5, vm0, $0xb8;
	[tilespmem:$0x1B800] =	vst v63  }
0x49: {  	s21 =	simm.s32 $0x13780  }
0x4a: {  	[tilespmem:s21], [sflag:$0xA] =	stream.linear.gather [hbm4b:s11+s4], $0x2000, $0x38;
	[tilespmem:$0x1B800] =	vst v63  }
0x4b: {  	v5 =	vld [tilespmem:s6+$0x18B0];
	_ =	sdelay $0x4  }
0x4c: {  	v6 =	vshll.u32 v5, $0x2  }
0x4d: {  	v5 =	vand.u32 $0x7, v5;
	v6 =	vand.u32 $0xFFFFFFE0, v6  }
0x4e: {  	v5 =	vor.u32 v5, v6  }
0x4f: {  	v6 =	vperm.xlane v5, v0;
	_ =	sdelay $0x1  }
0x50: {  	v6 =	vadd.s32 v1, v6;
	_ =	sdelay $0x1  }
0x51: {  	v5 =	vperm.xlane v5, v2;
	_ =	sdelay $0x1  }
0x52: {  	s22 =	simm.s32 $0x9780;
	v5 =	vadd.s32 v1, v5  }
0x53: {  	[tilespmem:s22], [sflag:$0x5] =	stream.indirect_vreg.gather [hbm4b:s1+s4], $0x80, v6, vm0, $0xb8;
	[tilespmem:$0x1B800] =	vst v63  }
0x54: {  	s24 =	simm.s32 $0x9F80  }
0x55: {  	[tilespmem:s24], [sflag:$0x5] =	stream.indirect_vreg.gather [hbm4b:s9+s4], $0x80, v6, vm0, $0xb8;
	[tilespmem:$0x1B800] =	vst v63  }
0x56: {  	s25 =	simm.s32 $0xA780  }
0x57: {  	[tilespmem:s25], [sflag:$0x5] =	stream.indirect_vreg.gather [hbm4b:s1+s4], $0x80, v5, vm0, $0xb8;
	[tilespmem:$0x1B800] =	vst v63  }
0x58: {  	s26 =	simm.s32 $0xAF80  }
0x59: {  	[tilespmem:s26], [sflag:$0x5] =	stream.indirect_vreg.gather [hbm4b:s9+s4], $0x80, v5, vm0, $0xb8;
	[tilespmem:$0x1B800] =	vst v63  }
0x5a: {  	s2 =	simm.s32 $0x0;
	s30 =	simm.s32 $0x15780;
	s21 =	simm.s32 $0x200  }
0x5b: {  	[tilespmem:s30], [sflag:$0xB] =	stream.linear.gather [hbm4b:s12+s4], $0x2000, $0x38;
	[tilespmem:$0x1B800] =	vst v63  }
.LBB2_2:
0x5c: {  	p0 =	sne.s32 s21, $0x6000;
	[tilespmem:s2+$0x1EF0] =	vst v3  }
0x5d: {  	[tilespmem:s2+$0x1E80] =	vst v3  }
0x5e: {  	[tilespmem:s2+$0x1E90] =	vst v3  }
.Ltmp0:
0x5f: {  	[tilespmem:s2+$0x1EA0] =	vst v3;
	(pc) =	sbr.rel @p0 .LBB2_2-.Ltmp0, $4  }
0x60: {  	[tilespmem:s2+$0x1EB0] =	vst v3  }
0x61: {  	[tilespmem:s2+$0x1EC0] =	vst v3  }
0x62: {  	[tilespmem:s2+$0x1ED0] =	vst v3  }
0x63: {  	[tilespmem:s2+$0x1EE0] =	vst v3;
	s2 =	sshra.s32 s21, $0x2;
	s21 =	sadd.s32 $0x200, s21  }
0x64: {  	[tilespmem:s2+$0x1EF0] =	vst v3  }
0x65: {  	[tilespmem:s2+$0x1E80] =	vst v3  }
0x66: {  	[tilespmem:s2+$0x1E90] =	vst v3  }
0x67: {  	[tilespmem:s2+$0x1EA0] =	vst v3  }
0x68: {  	[tilespmem:s2+$0x1EB0] =	vst v3  }
0x69: {  	[tilespmem:s2+$0x1EC0] =	vst v3  }
0x6a: {  	[tilespmem:s2+$0x1ED0] =	vst v3  }
0x6b: {  	[tilespmem:s2+$0x1EE0] =	vst v3  }
0x6c: {  	[tilespmem:$0x3700] =	vst v4  }
0x6d: {  	[tilespmem:$0x3710] =	vst v4  }
0x6e: {  	[tilespmem:$0x3720] =	vst v4  }
0x6f: {  	[tilespmem:$0x3730] =	vst v4  }
0x70: {  	[tilespmem:$0x3740] =	vst v4  }
0x71: {  	[tilespmem:$0x3750] =	vst v4  }
0x72: {  	[tilespmem:$0x3760] =	vst v4  }
0x73: {  	s25 =	simm.s32 $0x1E80;
	[tilespmem:$0x3770] =	vst v4  }
0x74: {  	[spmem:s13] =	stream.linear.scatter [tilespmem:s25], [sflag:$0xE], $0x1880, $0x38;
	[tilespmem:$0x1B800] =	vst v63  }
0x75: {  	_ =	swait.ge [sflag:s20], $0x1880  }
0x76: {  	[sflag:s20] =	ssyncset.done $0x0  }
0x77: {  	[sflag:s20] =	ssyncadd.s32 $0xFFFFE780  }
0x78: {  	[bflag:$0x0] =	sbarrier.arrive $0xFFFF  }
0x79: {  	[spmem:s3] =	stream.indirect.scatter.add.f32 [tilespmem:s0], [sflag:$0x1], $0x1, s5, s31, $0xb8;
	[tilespmem:$0x1B800] =	vst v63  }
0x7a: {  	s26 =	simm.s32 $0x1900  }
0x7b: {  	[spmem:s3] =	stream.indirect.scatter.add.f32 [tilespmem:s0], [sflag:$0x1], $0x1, s26, s31, $0xb8;
	[tilespmem:$0x1B800] =	vst v63  }
0x7c: {  	s30 =	simm.s32 $0x1980  }
0x7d: {  	[spmem:s3] =	stream.indirect.scatter.add.f32 [tilespmem:s0], [sflag:$0x1], $0x1, s30, s31, $0xb8;
	[tilespmem:$0x1B800] =	vst v63  }
0x7e: {  	s5 =	simm.s32 $0x1A00  }
0x7f: {  	[spmem:s3] =	stream.indirect.scatter.add.f32 [tilespmem:s0], [sflag:$0x1], $0x1, s5, s31, $0xb8;
	[tilespmem:$0x1B800] =	vst v63  }
0x80: {  	s19 =	simm.s32 $0x1A80  }
0x81: {  	[spmem:s3] =	stream.indirect.scatter.add.f32 [tilespmem:s0], [sflag:$0x1], $0x1, s19, s31, $0xb8;
	[tilespmem:$0x1B800] =	vst v63  }
0x82: {  	s21 =	simm.s32 $0x1B00  }
0x83: {  	[spmem:s3] =	stream.indirect.scatter.add.f32 [tilespmem:s0], [sflag:$0x1], $0x1, s21, s31, $0xb8;
	[tilespmem:$0x1B800] =	vst v63  }
0x84: {  	s22 =	simm.s32 $0x1B80  }
0x85: {  	[spmem:s3] =	stream.indirect.scatter.add.f32 [tilespmem:s0], [sflag:$0x1], $0x1, s22, s31, $0xb8;
	[tilespmem:$0x1B800] =	vst v63  }
0x86: {  	s24 =	simm.s32 $0x1C00  }
0x87: {  	[spmem:s3] =	stream.indirect.scatter.add.f32 [tilespmem:s0], [sflag:$0x1], $0x1, s24, s31, $0xb8;
	[tilespmem:$0x1B800] =	vst v63  }
0x88: {  	_ =	swait.ge [sflag:s28], $0x80  }
0x89: {  	[sflag:s28] =	ssyncset.done $0x0  }
0x8a: {  	[sflag:s28] =	ssyncadd.s32 $0xFFFFFF80  }
0x8b: {  	_ =	swait.ge [sflag:s28], $0x80  }
0x8c: {  	[sflag:s28] =	ssyncset.done $0x0  }
0x8d: {  	[sflag:s28] =	ssyncadd.s32 $0xFFFFFF80  }
0x8e: {  	_ =	swait.ge [sflag:s28], $0x80  }
0x8f: {  	[sflag:s28] =	ssyncset.done $0x0  }
0x90: {  	[sflag:s28] =	ssyncadd.s32 $0xFFFFFF80  }
0x91: {  	_ =	swait.ge [sflag:s28], $0x80  }
0x92: {  	[sflag:s28] =	ssyncset.done $0x0  }
0x93: {  	[sflag:s28] =	ssyncadd.s32 $0xFFFFFF80  }
0x94: {  	_ =	swait.ge [sflag:s28], $0x80  }
0x95: {  	[sflag:s28] =	ssyncset.done $0x0  }
0x96: {  	[sflag:s28] =	ssyncadd.s32 $0xFFFFFF80  }
0x97: {  	_ =	swait.ge [sflag:s28], $0x80  }
0x98: {  	[sflag:s28] =	ssyncset.done $0x0  }
0x99: {  	[sflag:s28] =	ssyncadd.s32 $0xFFFFFF80  }
0x9a: {  	_ =	swait.ge [sflag:s28], $0x80  }
0x9b: {  	[sflag:s28] =	ssyncset.done $0x0  }
0x9c: {  	[sflag:s28] =	ssyncadd.s32 $0xFFFFFF80  }
0x9d: {  	_ =	swait.ge [sflag:s28], $0x80  }
0x9e: {  	[sflag:s28] =	ssyncset.done $0x0  }
0x9f: {  	[sflag:s28] =	ssyncadd.s32 $0xFFFFFF80  }
0xa0: {  	[bflag:$0x0] =	sbarrier.arrive $0xFFFF  }
0xa1: {  	[tilespmem:s29], [sflag:$0x1] =	stream.indirect.gather [spmem:s3], $0x1, s8, s31, $0xb8;
	[tilespmem:$0x1B800] =	vst v63  }
0xa2: {  	s25 =	simm.s32 $0x1D00  }
0xa3: {  	[tilespmem:s25], [sflag:$0x1] =	stream.indirect.gather [spmem:s3], $0x1, s14, s31, $0xb8;
	[tilespmem:$0x1B800] =	vst v63  }
0xa4: {  	s26 =	simm.s32 $0x1D80  }
0xa5: {  	[tilespmem:s26], [sflag:$0x1] =	stream.indirect.gather [spmem:s3], $0x1, s15, s31, $0xb8;
	[tilespmem:$0x1B800] =	vst v63  }
0xa6: {  	s30 =	simm.s32 $0x1E00  }
0xa7: {  	[tilespmem:s30], [sflag:$0x1] =	stream.indirect.gather [spmem:s3], $0x1, s16, s31, $0xb8;
	[tilespmem:$0x1B800] =	vst v63  }
0xa8: {  	_ =	swait.ge [sflag:s28], $0x80  }
0xa9: {  	[sflag:s28] =	ssyncset.done $0x0  }
0xaa: {  	[sflag:s28] =	ssyncadd.s32 $0xFFFFFF80  }
0xab: {  	_ =	swait.ge [sflag:s28], $0x80  }
0xac: {  	[sflag:s28] =	ssyncset.done $0x0  }
0xad: {  	[sflag:s28] =	ssyncadd.s32 $0xFFFFFF80  }
0xae: {  	_ =	swait.ge [sflag:s28], $0x80  }
0xaf: {  	[sflag:s28] =	ssyncset.done $0x0  }
0xb0: {  	[sflag:s28] =	ssyncadd.s32 $0xFFFFFF80  }
0xb1: {  	_ =	swait.ge [sflag:s28], $0x80  }
0xb2: {  	s2 =	simm.s32 $0x0;
	[sflag:s28] =	ssyncset.done $0x0  }
0xb3: {  	s21 =	simm.s32 $0x40;
	s22 =	simm.s32 $0x0;
	[sflag:s28] =	ssyncadd.s32 $0xFFFFFF80  }
.LBB2_4:
0xb4: {  	p0 =	sne.s32 s21, $0x7C0;
	v5 =	vld [tilespmem:s2+$0x1C80];
	_ =	sdelay $0x4  }
0xb5: {  	v5 =	vadd.f32 $1.000000000e+00, v5;
	_ =	sdelay $0x1  }
0xb6: {  	(erf) = vrcp.f32 v5;
	_ =	sdelay $0x5  }
.Ltmp1:
0xb7: {  	(pc) =	sbr.rel @p0 .LBB2_4-.Ltmp1, $3  }
0xb8: {  	_ =	sdelay $0x1  }
0xb9: {  	v5 =	vpop (erf)  }
0xba: {  	[tilespmem:s2+$0x1C80] =	vst v5;
	s2 =	sshra.s32 s21, $0x2;
	s21 =	sadd.s32 $0x40, s21  }
0xbb: {  	v5 =	vld [tilespmem:s2+$0x1C80];
	_ =	sdelay $0x4  }
0xbc: {  	v5 =	vadd.f32 $1.000000000e+00, v5;
	_ =	sdelay $0x1  }
0xbd: {  	(erf) = vrcp.f32 v5;
	_ =	sdelay $0x8  }
0xbe: {  	v5 =	vpop (erf)  }
0xbf: {  	s25 =	simm.s32 $0x0;
	[tilespmem:s2+$0x1C80] =	vst v5;
	v5 =	vimm.f32 $0.0e+00  }
.LBB2_6:
0xc0: {  	s2 =	smul.u32 $0xAB, s25;
	_ =	sdelay $0x1  }
0xc1: {  	s2 =	sshrl.u32 s2, $0xA  }
0xc2: {  	s2 =	sand.u32 $0x3F, s2  }
0xc3: {  	s2 =	smul.u32 $0x6, s2;
	_ =	sdelay $0x1  }
0xc4: {  	s2 =	ssub.s32 s25, s2  }
0xc5: {  	s2 =	sand.u32 $0xFF, s2  }
0xc6: {  	s21 =	sadd.s32 $0x2, s2  }
0xc7: {  	p0 =	sgt.u32 s25, $0x1B;
	_ =	swait.ge [sflag:s21], $0x2000  }
0xc8: {  	s24 =	sadd.s32 @!p0 $0x4, s25;
	[sflag:s21] =	ssyncset.done $0x0  }
0xc9: {  	s26 =	sshll.u32 @!p0 s24, $0x4;
	s19 =	sor.u32 $0x8, s2;
	[sflag:s21] =	ssyncadd.s32 $0xFFFFE000  }
0xca: {  	s30 =	sand.u32 @!p0 $0x380, s26;
	_ =	swait.ge [sflag:s19], $0x2000  }
0xcb: {  	s26 =	sand.u32 @!p0 $0x70, s26;
	s30 =	sadd.s32 @!p0 s30, s8;
	[sflag:s19] =	ssyncset.done $0x0  }
0xcc: {  	s21 =	sadd.s32 @!p0 s26, s30;
	[sflag:s19] =	ssyncadd.s32 $0xFFFFE000  }
0xcd: {  	v6 =	vld @!p0 [tilespmem:s21+$0x0];
	_ =	sdelay $0x4  }
0xce: {  	s21 =	smul.u32 @!p0 $0xAB, s24;
	v7 =	vshll.u32 @!p0 v6, $0x2  }
0xcf: {  	v8 =	vlaneseq.u32 @!p0;
	v6 =	vand.u32 @!p0 $0x7, v6;
	v7 =	vand.u32 @!p0 $0xFFFFFFE0, v7  }
0xd0: {  	v9 =	vshrl.u32 @!p0 v8, $0x3;
	s21 =	sshrl.u32 @!p0 s21, $0xA;
	v6 =	vor.u32 @!p0 v6, v7;
	v7 =	vand.u32 @!p0 $0x7, v8  }
0xd1: {  	v9 =	vmul.u32 @!p0 $0x8, v9;
	s21 =	sand.u32 @!p0 $0x3F, s21;
	v7 =	vperm.xlane @!p0 v6, v7  }
0xd2: {  	s21 =	smul.u32 @!p0 $0x6, s21  }
0xd3: {  	v7 =	vadd.s32 @!p0 v9, v7  }
0xd4: {  	s21 =	ssub.s32 @!p0 s24, s21;
	v8 =	vor.u32 @!p0 $0x8, v8  }
0xd5: {  	s21 =	sand.u32 @!p0 $0xFF, s21;
	v6 =	vperm.xlane @!p0 v6, v8  }
0xd6: {  	s26 =	sshll.u32 @!p0 s21, $0xD  }
0xd7: {  	vm1 =	vmmov @!p0 $0xffff;
	s19 =	simm.s32 @!p0 $0x0;
	s5 =	sadd.s32 @!p0 $0x2, s21;
	s30 =	sadd.s32 @!p0 $0x3780, s26;
	v6 =	vadd.s32 @!p0 v9, v6  }
0xd8: {  	[tilespmem:s30], [sflag:s5] =	stream.indirect_vreg.gather @!p0 [hbm4b:s1+s19], $0x80, v7, vm1, $0xb8;
	[tilespmem:$0x1B800] =	vst v63  }
0xd9: {  	s30 =	sadd.s32 @!p0 $0x3F80, s26  }
0xda: {  	[tilespmem:s30], [sflag:s5] =	stream.indirect_vreg.gather @!p0 [hbm4b:s9+s19], $0x80, v7, vm1, $0xb8;
	[tilespmem:$0x1B800] =	vst v63  }
0xdb: {  	s30 =	sadd.s32 @!p0 $0x4780, s26  }
0xdc: {  	[tilespmem:s30], [sflag:s5] =	stream.indirect_vreg.gather @!p0 [hbm4b:s1+s19], $0x80, v6, vm1, $0xb8;
	[tilespmem:$0x1B800] =	vst v63  }
0xdd: {  	s30 =	sadd.s32 @!p0 $0x4F80, s26  }
0xde: {  	[tilespmem:s30], [sflag:s5] =	stream.indirect_vreg.gather @!p0 [hbm4b:s9+s19], $0x80, v6, vm1, $0xb8;
	[tilespmem:$0x1B800] =	vst v63  }
0xdf: {  	s21 =	sor.u32 @!p0 $0x8, s21;
	s5 =	sshll.u32 @!p0 s24, $0xA  }
0xe0: {  	s24 =	sadd.s32 @!p0 $0xF780, s26;
	s30 =	simm.s32 $0x0;
	s5 =	sadd.s32 @!p0 s5, s7  }
0xe1: {  	[tilespmem:s24], [sflag:s21] =	stream.linear.gather @!p0 [hbm4b:s5+s19], $0x2000, $0x38;
	[tilespmem:$0x1B800] =	vst v63  }
0xe2: {  	s2 =	sshll.u32 s2, $0xD;
	s24 =	sand.u32 $0x1000, s30  }
0xe3: {  	s26 =	sand.u32 $0x380, s30;
	s5 =	sor.u32 s2, s24  }
0xe4: {  	s26 =	sor.u32 s26, s5  }
0xe5: {  	v6 =	vld [tilespmem:s26+$0x103C0]  }
0xe6: {  	v7 =	vld [tilespmem:s26+$0x43C0]  }
0xe7: {  	v8 =	vld [tilespmem:s26+$0x103D0]  }
0xe8: {  	v9 =	vld [tilespmem:s26+$0x43D0]  }
0xe9: {  	v10 =	vld [tilespmem:s26+$0x103E0]  }
0xea: {  	v11 =	vld [tilespmem:s26+$0x43E0]  }
0xeb: {  	v12 =	vld [tilespmem:s26+$0x103F0]  }
0xec: {  	v15 =	vld [tilespmem:s26+$0x43F0]  }
0xed: {  	v16 =	vld [tilespmem:s26+$0x10380]  }
0xee: {  	v18 =	vld [tilespmem:s26+$0x4380]  }
0xef: {  	v21 =	vld [tilespmem:s26+$0x10390]  }
0xf0: {  	v22 =	vld [tilespmem:s26+$0x4390]  }
0xf1: {  	v23 =	vld [tilespmem:s26+$0x103A0]  }
0xf2: {  	v25 =	vld [tilespmem:s26+$0x43A0]  }
0xf3: {  	v31 =	vld [tilespmem:s26+$0x103B0]  }
0xf4: {  	v32 =	vld [tilespmem:s26+$0x43B0]  }
0xf5: {  	v33 =	vld [tilespmem:s26+$0xFFC0]  }
0xf6: {  	v34 =	vld [tilespmem:s26+$0x3FC0]  }
0xf7: {  	v35 =	vld [tilespmem:s26+$0xFFD0]  }
0xf8: {  	v36 =	vld [tilespmem:s26+$0x3FD0]  }
0xf9: {  	v37 =	vld [tilespmem:s26+$0xFFE0]  }
0xfa: {  	v38 =	vld [tilespmem:s26+$0x3FE0]  }
0xfb: {  	v39 =	vld [tilespmem:s26+$0xFFF0]  }
0xfc: {  	v40 =	vld [tilespmem:s26+$0x3FF0]  }
0xfd: {  	v41 =	vld [tilespmem:s26+$0xFF80]  }
0xfe: {  	v42 =	vld [tilespmem:s26+$0x3F80]  }
0xff: {  	v43 =	vld [tilespmem:s26+$0xFF90]  }
0x100: {  	v44 =	vld [tilespmem:s26+$0x3F90]  }
0x101: {  	v45 =	vld [tilespmem:s26+$0xFFA0]  }
0x102: {  	v46 =	vld [tilespmem:s26+$0x3FA0]  }
0x103: {  	v47 =	vld [tilespmem:s26+$0xFFB0]  }
0x104: {  	v48 =	vld [tilespmem:s26+$0x3FB0]  }
0x105: {  	v49 =	vld [tilespmem:s26+$0xFBC0]  }
0x106: {  	v50 =	vld [tilespmem:s26+$0x3BC0]  }
0x107: {  	v51 =	vld [tilespmem:s26+$0xFBD0]  }
0x108: {  	v52 =	vld [tilespmem:s26+$0x3BD0]  }
0x109: {  	v53 =	vld [tilespmem:s26+$0xFBE0]  }
0x10a: {  	v54 =	vld [tilespmem:s26+$0x3BE0]  }
0x10b: {  	v55 =	vld [tilespmem:s26+$0xFBF0]  }
0x10c: {  	v56 =	vld [tilespmem:s26+$0x3BF0]  }
0x10d: {  	v57 =	vld [tilespmem:s26+$0xFB80]  }
0x10e: {  	v58 =	vld [tilespmem:s26+$0x3B80]  }
0x10f: {  	v59 =	vld [tilespmem:s26+$0xFB90]  }
0x110: {  	v60 =	vld [tilespmem:s26+$0x3B90]  }
0x111: {  	v13 =	vld [tilespmem:s26+$0xFBA0]  }
0x112: {  	v14 =	vld [tilespmem:s26+$0x3BA0]  }
0x113: {  	v28 =	vld [tilespmem:s26+$0xF780]  }
0x114: {  	v29 =	vld [tilespmem:s26+$0x3780]  }
0x115: {  	v27 =	vld [tilespmem:s26+$0xF790];
	v30 =	vsub.f32 v6, v7;
	v19 =	vsub.f32 v8, v9  }
0x116: {  	v20 =	vld [tilespmem:s26+$0x3790];
	v7 =	vsub.f32 v10, v11;
	v6 =	vsub.f32 v12, v15  }
0x117: {  	v17 =	vld [tilespmem:s26+$0xF7A0];
	v24 =	vsub.f32 v16, v18;
	v26 =	vsub.f32 v21, v22  }
0x118: {  	v21 =	vld [tilespmem:s26+$0x37A0];
	v9 =	vsub.f32 v23, v25;
	v8 =	vsub.f32 v31, v32  }
0x119: {  	v18 =	vld [tilespmem:s26+$0xF7B0];
	v33 =	vsub.f32 v33, v34;
	v34 =	vsub.f32 v35, v36  }
0x11a: {  	v31 =	vld [tilespmem:s26+$0x37B0];
	v12 =	vsub.f32 v37, v38;
	v11 =	vsub.f32 v39, v40  }
0x11b: {  	v23 =	vld [tilespmem:s26+$0xF7C0];
	v35 =	vsub.f32 v41, v42;
	v36 =	vsub.f32 v43, v44  }
0x11c: {  	v37 =	vld [tilespmem:s26+$0x37C0];
	v16 =	vsub.f32 v45, v46;
	v15 =	vsub.f32 v47, v48  }
0x11d: {  	v32 =	vld [tilespmem:s26+$0xF7D0];
	v40 =	vsub.f32 v49, v50;
	v41 =	vsub.f32 v51, v52  }
0x11e: {  	v39 =	vld [tilespmem:s26+$0x37D0];
	v25 =	vsub.f32 v53, v54;
	v22 =	vsub.f32 v55, v56  }
0x11f: {  	s21 =	simm.s32 $0x200;
	s24 =	smov.u32 s22;
	v10 =	vmov s22;
	v38 =	vld [tilespmem:s26+$0xF7E0];
	v42 =	vsub.f32 v57, v58;
	v43 =	vsub.f32 v59, v60  }
.LBB2_7:
0x120: {  	p0 =	sne.s32 s21, $0x1E00;
	v28 =	vsub.f32 v28, v29;
	v29 =	vld [tilespmem:s26+$0x37E0];
	v30 =	vmul.f32 v30, v30;
	v44 =	vmul.f32 v19, v19  }
0x121: {  	v19 =	vsub.f32 v27, v20;
	v27 =	vmul.f32 v24, v24;
	v45 =	vmul.f32 v26, v26;
	v20 =	vld [tilespmem:s26+$0xF7F0]  }
0x122: {  	s5 =	sand.u32 $0x1000, s21;
	v21 =	vsub.f32 v17, v21;
	v33 =	vmul.f32 v33, v33;
	v34 =	vmul.f32 v34, v34;
	s30 =	sadd.s32 $0x80, s30;
	v24 =	vld [tilespmem:s26+$0x37F0]  }
0x123: {  	v26 =	vsub.f32 v18, v31;
	v35 =	vmul.f32 v35, v35;
	v36 =	vmul.f32 v36, v36;
	s5 =	sor.u32 s2, s5;
	s19 =	sand.u32 $0x380, s30;
	v31 =	vld [tilespmem:s26+$0xFBB0]  }
0x124: {  	v40 =	vmul.f32 v40, v40;
	v41 =	vmul.f32 v41, v41;
	v23 =	vsub.f32 v23, v37;
	v37 =	vld [tilespmem:s26+$0x3BB0];
	s26 =	sor.u32 s19, s5  }
0x125: {  	v32 =	vsub.f32 v32, v39;
	v39 =	vmul.f32 v42, v42;
	v42 =	vmul.f32 v43, v43;
	v17 =	vld [tilespmem:s26+$0x103C0]  }
0x126: {  	v28 =	vmul.f32 v28, v28;
	v43 =	vmul.f32 v19, v19;
	v29 =	vsub.f32 v38, v29;
	v18 =	vld [tilespmem:s26+$0x43C0]  }
0x127: {  	v26 =	vmul.f32 v26, v26;
	v38 =	vmul.f32 v21, v21;
	v19 =	vld [tilespmem:s26+$0x103D0];
	v24 =	vsub.f32 v20, v24  }
0x128: {  	v13 =	vsub.f32 v13, v14;
	v46 =	vmul.f32 v23, v23;
	v32 =	vmul.f32 v32, v32;
	v20 =	vld [tilespmem:s26+$0x43D0]  }
0x129: {  	v14 =	vmul.f32 v29, v29;
	v21 =	vld [tilespmem:s26+$0x103E0];
	v29 =	vmul.f32 v24, v24;
	v31 =	vsub.f32 v31, v37  }
0x12a: {  	v13 =	vmul.f32 v13, v13;
	v28 =	vadd.f32 v46, v28;
	v32 =	vadd.f32 v32, v43;
	v23 =	vld [tilespmem:s26+$0x43E0]  }
0x12b: {  	v14 =	vadd.f32 v14, v38;
	v24 =	vld [tilespmem:s26+$0x103F0];
	v29 =	vadd.f32 v29, v26;
	v31 =	vmul.f32 v31, v31  }
0x12c: {  	v25 =	vmul.f32 v25, v25;
	v28 =	vadd.f32 v39, v28;
	v32 =	vadd.f32 v42, v32;
	v26 =	vld [tilespmem:s26+$0x43F0]  }
0x12d: {  	v22 =	vmul.f32 v22, v22;
	v13 =	vadd.f32 v13, v14;
	v37 =	vld [tilespmem:s26+$0x10380];
	v14 =	vadd.f32 v31, v29  }
0x12e: {  	v16 =	vmul.f32 v16, v16;
	v28 =	vadd.f32 v40, v28;
	v29 =	vadd.f32 v41, v32;
	v31 =	vld [tilespmem:s26+$0x4380]  }
0x12f: {  	v15 =	vmul.f32 v15, v15;
	v13 =	vadd.f32 v25, v13;
	v32 =	vld [tilespmem:s26+$0x10390];
	v14 =	vadd.f32 v22, v14  }
0x130: {  	v12 =	vmul.f32 v12, v12;
	v25 =	vadd.f32 v35, v28;
	v28 =	vadd.f32 v36, v29;
	v22 =	vld [tilespmem:s26+$0x4390]  }
0x131: {  	v11 =	vmul.f32 v11, v11;
	v13 =	vadd.f32 v16, v13;
	v35 =	vld [tilespmem:s26+$0x103A0];
	v14 =	vadd.f32 v15, v14  }
0x132: {  	v9 =	vmul.f32 v9, v9;
	v16 =	vadd.f32 v33, v25;
	v25 =	vadd.f32 v34, v28;
	v15 =	vld [tilespmem:s26+$0x43A0]  }
0x133: {  	v8 =	vmul.f32 v8, v8;
	v12 =	vadd.f32 v12, v13;
	v33 =	vld [tilespmem:s26+$0x103B0];
	v11 =	vadd.f32 v11, v14  }
0x134: {  	v7 =	vmul.f32 v7, v7;
	v13 =	vadd.f32 v27, v16;
	v14 =	vadd.f32 v45, v25;
	v34 =	vld [tilespmem:s26+$0x43B0]  }
0x135: {  	v6 =	vmul.f32 v6, v6;
	v9 =	vadd.f32 v9, v12;
	v16 =	vld [tilespmem:s26+$0xFFC0];
	v8 =	vadd.f32 v8, v11  }
0x136: {  	v12 =	vadd.f32 v30, v13;
	v13 =	vadd.f32 v44, v14;
	v11 =	vld [tilespmem:s26+$0x3FC0]  }
0x137: {  	v7 =	vadd.f32 v7, v9;
	v10 =	vld.idx.msk [tilespmem:v10+s29+$0x0], $0xffff;
	v6 =	vadd.f32 v6, v8  }
0x138: {  	v25 =	vld [tilespmem:s26+$0xFFD0]  }
0x139: {  	v8 =	vadd.f32 v13, v12;
	v36 =	vld [tilespmem:s26+$0x3FD0];
	v6 =	vadd.f32 v6, v7  }
0x13a: {  	v12 =	vld [tilespmem:s26+$0xFFE0]  }
0x13b: {  	v38 =	vld [tilespmem:s26+$0x3FE0];
	v6 =	vadd.f32 v6, v8  }
0x13c: {  	v39 =	vld [tilespmem:s26+$0xFFF0]  }
0x13d: {  	v40 =	vld [tilespmem:s26+$0x3FF0];
	v6 =	vmul.f32 v6, v10  }
0x13e: {  	v10 =	vld [tilespmem:s26+$0xFF80]  }
0x13f: {  	v41 =	vld [tilespmem:s26+$0x3F80];
	v5 =	vadd.f32 v6, v5  }
0x140: {  	v42 =	vld [tilespmem:s26+$0xFF90]  }
0x141: {  	v43 =	vld [tilespmem:s26+$0x3F90]  }
0x142: {  	v44 =	vld [tilespmem:s26+$0xFFA0]  }
0x143: {  	v45 =	vld [tilespmem:s26+$0x3FA0]  }
0x144: {  	v46 =	vld [tilespmem:s26+$0xFFB0]  }
0x145: {  	v47 =	vld [tilespmem:s26+$0x3FB0]  }
0x146: {  	v48 =	vld [tilespmem:s26+$0xFBC0]  }
0x147: {  	v49 =	vld [tilespmem:s26+$0x3BC0]  }
0x148: {  	v50 =	vld [tilespmem:s26+$0xFBD0]  }
0x149: {  	v51 =	vld [tilespmem:s26+$0x3BD0]  }
0x14a: {  	v52 =	vld [tilespmem:s26+$0xFBE0]  }
0x14b: {  	v53 =	vld [tilespmem:s26+$0x3BE0]  }
0x14c: {  	v54 =	vld [tilespmem:s26+$0xFBF0]  }
0x14d: {  	v55 =	vld [tilespmem:s26+$0x3BF0]  }
0x14e: {  	v56 =	vld [tilespmem:s26+$0xFB80]  }
0x14f: {  	v57 =	vld [tilespmem:s26+$0x3B80]  }
0x150: {  	v58 =	vld [tilespmem:s26+$0xFB90]  }
0x151: {  	v59 =	vld [tilespmem:s26+$0x3B90]  }
0x152: {  	v13 =	vld [tilespmem:s26+$0xFBA0]  }
0x153: {  	v14 =	vld [tilespmem:s26+$0x3BA0]  }
0x154: {  	v28 =	vld [tilespmem:s26+$0xF780]  }
0x155: {  	v29 =	vld [tilespmem:s26+$0x3780]  }
0x156: {  	v19 =	vsub.f32 v19, v20;
	v30 =	vsub.f32 v17, v18;
	v27 =	vld [tilespmem:s26+$0xF790]  }
0x157: {  	v7 =	vsub.f32 v21, v23;
	v6 =	vsub.f32 v24, v26;
	v20 =	vld [tilespmem:s26+$0x3790]  }
0x158: {  	v24 =	vsub.f32 v37, v31;
	v26 =	vsub.f32 v32, v22;
	v17 =	vld [tilespmem:s26+$0xF7A0]  }
0x159: {  	v9 =	vsub.f32 v35, v15;
	v8 =	vsub.f32 v33, v34;
	v21 =	vld [tilespmem:s26+$0x37A0]  }
0x15a: {  	v33 =	vsub.f32 v16, v11;
	v34 =	vsub.f32 v25, v36;
	v18 =	vld [tilespmem:s26+$0xF7B0]  }
0x15b: {  	v12 =	vsub.f32 v12, v38;
	v11 =	vsub.f32 v39, v40;
	v31 =	vld [tilespmem:s26+$0x37B0]  }
.Ltmp2:
0x15c: {  	v35 =	vsub.f32 v10, v41;
	v36 =	vsub.f32 v42, v43;
	v23 =	vld [tilespmem:s26+$0xF7C0];
	(pc) =	sbr.rel @p0 .LBB2_7-.Ltmp2, $4  }
0x15d: {  	v16 =	vsub.f32 v44, v45;
	v15 =	vsub.f32 v46, v47;
	v37 =	vld [tilespmem:s26+$0x37C0]  }
0x15e: {  	v40 =	vsub.f32 v48, v49;
	v41 =	vsub.f32 v50, v51;
	v32 =	vld [tilespmem:s26+$0xF7D0]  }
0x15f: {  	s24 =	sadd.s32 $0x1, s24;
	v25 =	vsub.f32 v52, v53;
	v22 =	vsub.f32 v54, v55;
	v39 =	vld [tilespmem:s26+$0x37D0]  }
0x160: {  	s21 =	sadd.s32 $0x200, s21;
	v10 =	vmov s24;
	v42 =	vsub.f32 v56, v57;
	v43 =	vsub.f32 v58, v59;
	v38 =	vld [tilespmem:s26+$0xF7E0]  }
0x161: {  	v30 =	vmul.f32 v30, v30  }
0x162: {  	v57 =	vld [tilespmem:s26+$0x37E0];
	v19 =	vmul.f32 v19, v19;
	v24 =	vmul.f32 v24, v24  }
0x163: {  	v28 =	vsub.f32 v28, v29;
	v58 =	vld [tilespmem:s26+$0xF7F0];
	v26 =	vmul.f32 v26, v26;
	v33 =	vmul.f32 v33, v33  }
0x164: {  	v20 =	vsub.f32 v27, v20;
	v59 =	vld [tilespmem:s26+$0x37F0];
	v34 =	vmul.f32 v34, v34;
	v35 =	vmul.f32 v35, v35  }
0x165: {  	v17 =	vsub.f32 v17, v21;
	v60 =	vld [tilespmem:s26+$0xFBB0];
	v36 =	vmul.f32 v36, v36;
	v40 =	vmul.f32 v40, v40  }
0x166: {  	v18 =	vsub.f32 v18, v31;
	v61 =	vld [tilespmem:s26+$0x3BB0];
	v41 =	vmul.f32 v41, v41;
	v62 =	vmul.f32 v42, v42  }
0x167: {  	v23 =	vsub.f32 v23, v37;
	v63 =	vmul.f32 v43, v43;
	v28 =	vmul.f32 v28, v28  }
0x168: {  	v20 =	vmul.f32 v20, v20;
	v17 =	vmul.f32 v17, v17;
	v32 =	vsub.f32 v32, v39  }
0x169: {  	v18 =	vmul.f32 v18, v18;
	v29 =	vsub.f32 v38, v57;
	v21 =	vsub.f32 v58, v59  }
0x16a: {  	v13 =	vsub.f32 v13, v14;
	v23 =	vmul.f32 v23, v23;
	v44 =	vmul.f32 v32, v32  }
0x16b: {  	v46 =	vsub.f32 v60, v61;
	v45 =	vmul.f32 v29, v29;
	v21 =	vmul.f32 v21, v21  }
0x16c: {  	v13 =	vmul.f32 v13, v13;
	v23 =	vadd.f32 v23, v28;
	v20 =	vadd.f32 v44, v20  }
0x16d: {  	v48 =	vmul.f32 v46, v46;
	v14 =	vadd.f32 v45, v17;
	v47 =	vadd.f32 v21, v18  }
0x16e: {  	v50 =	vmul.f32 v25, v25;
	v49 =	vadd.f32 v62, v23;
	v20 =	vadd.f32 v63, v20  }
0x16f: {  	v52 =	vmul.f32 v22, v22;
	v13 =	vadd.f32 v13, v14;
	v51 =	vadd.f32 v48, v47  }
0x170: {  	v16 =	vmul.f32 v16, v16;
	v53 =	vadd.f32 v40, v49;
	v20 =	vadd.f32 v41, v20  }
0x171: {  	v15 =	vmul.f32 v15, v15;
	v13 =	vadd.f32 v50, v13;
	v14 =	vadd.f32 v52, v51  }
0x172: {  	v12 =	vmul.f32 v12, v12;
	v54 =	vadd.f32 v35, v53;
	v55 =	vadd.f32 v36, v20  }
0x173: {  	v11 =	vmul.f32 v11, v11;
	v13 =	vadd.f32 v16, v13;
	v14 =	vadd.f32 v15, v14  }
0x174: {  	v9 =	vmul.f32 v9, v9;
	v56 =	vadd.f32 v33, v54;
	v57 =	vadd.f32 v34, v55  }
0x175: {  	v8 =	vmul.f32 v8, v8;
	v12 =	vadd.f32 v12, v13;
	v11 =	vadd.f32 v11, v14  }
0x176: {  	v7 =	vmul.f32 v7, v7;
	v58 =	vadd.f32 v24, v56;
	v59 =	vadd.f32 v26, v57  }
0x177: {  	v6 =	vmul.f32 v6, v6;
	v9 =	vadd.f32 v9, v12;
	v8 =	vadd.f32 v8, v11  }
0x178: {  	v60 =	vadd.f32 v30, v58;
	v61 =	vadd.f32 v19, v59  }
0x179: {  	v7 =	vadd.f32 v7, v9;
	v6 =	vadd.f32 v6, v8  }
0x17a: {  	v62 =	vld.idx.msk [tilespmem:v10+s29+$0x0], $0xffff  }
0x17b: {  	s25 =	sadd.s32 $0x1, s25;
	v63 =	vadd.f32 v61, v60;
	v6 =	vadd.f32 v6, v7  }
0x17c: {  	p0 =	sne.s32 s25, $0x20  }
.Ltmp3:
0x17d: {  	v6 =	vadd.f32 v6, v63;
	(pc) =	sbr.rel @p0 .LBB2_6-.Ltmp3, $3  }
0x17e: {  	_ = 	snop  }
0x17f: {  	v6 =	vmul.f32 v6, v62;
	_ =	sdelay $0x1  }
0x180: {  	s22 =	sadd.s32 $0x10, s22;
	v5 =	vadd.f32 v6, v5  }
0x181: {  	s23 =	sadd.s32 $0x1, s23  }
0x182: {  	p0 =	sne.s32 s23, s18  }
.Ltmp4:
0x183: {  	s2 =	simm.s32 $0x1B780;
	[tilespmem:$0x1B780] =	vst v5;
	(pc) =	sbr.rel @p0 .LBB2_1-.Ltmp4, $4  }
0x184: {  	[hbm4b:s17+s4] =	stream.linear.scatter [tilespmem:s2], [sflag:$0xE], $0x80, $0x38;
	[tilespmem:$0x1B800] =	vst v63  }
0x185: {  	_ =	swait.ge [sflag:s20], $0x80  }
0x186: {  	[sflag:s20] =	ssyncset.done $0x0  }
0x187: {  	s5 =	simm.s32 $0x1880;
	[sflag:s20] =	ssyncadd.s32 $0xFFFFFF80  }
0x188: {  	_ =	sfence.sel $0x180000  }
0x189: {  	[bflag:$0x0] =	sbarrier.arrive $0xFFFF  }
0x18a: {  	_ =	strace $0x90000047  }
0x18b: {  	s0 =	stileid.u32;
	[bflag:$0x2] =	sbarrier.arrive $0xFFFF  }
0x18c: {  	p0 =	sne.s32 s0, $0x0;
	s0 =	rddreg [dreg:$0x5]  }
0x18d: {  	s0 =	sadd.s32 @!p0 $0x100000, s0  }
0x18e: {  	[sflag:s0] =	ssyncadd.tile.s32 @!p0 $0x1;
	_ =	shalt  }
.Lfunc_end2:
_tile_overlayer_lowered:
.L_overlay_start_2:
0x18f: {  	(tag) =	ssettag $0x2  }
0x190: {  	s0 =	rddreg [dreg:$0x0];
	s2 =	stileid.u32  }
0x191: {  	s1 =	rddreg [dreg:$0x1];
	p0 =	sne.s32 s2, $0x0  }
0x192: {  	s3 =	rddreg [dreg:$0x2];
	[bflag:$0x3] =	sbarrier.arrive $0xFFFF;
	s2 =	simm.s32 @!p0 $0x1C0E  }
0x193: {  	[timem:s3], [sflag:s2] =	dma.local @!p0 [hbm:s0], s1  }
0x194: {  	s0 =	simm.s32 @!p0 $0xE  }
0x195: {  	_ =	swait.ge @!p0 [sflag:s0], s1  }
0x196: {  	s1 =	ssub.s32 @!p0 $0x0, s1;
	[sflag:s0] =	ssyncset.done @!p0 $0x0  }
0x197: {  	[sflag:s0] =	ssyncadd.s32 @!p0 s1  }
0x198: {  	[bflag:$0x3] =	sbarrier.arrive $0xFFFF  }
0x199: {  	_ =	shalt  }

</sc_bundles>
